<compile_context>
chip_gen: v7x
topology: tpu7x:2x2x1
jax: 0.10.2.dev20260603
libtpu: 0.0.44.dev20260713+nightly
codegen_flags: <defaults>
</compile_context>

<pallas_src>
import functools

import jax
import jax.numpy as jnp
from jax import lax
from jax.experimental import pallas as pl
from jax.experimental.pallas import tpu as pltpu
from jax.experimental.pallas import tpu_sc as plsc

B, D, C = 16384, 512, 512


_BB = 1024


def _winner_body(x_ref, w_ref, out_ref):
    x = x_ref[...]
    w = w_ref[...]
    xw = lax.dot_general(
        x, w, (((1,), (1,)), ((), ())),
        preferred_element_type=jnp.float32,
    )
    x2 = jnp.sum(x * x, axis=1, keepdims=True)
    w2 = jnp.sum(w * w, axis=1)[None, :]
    d2 = jnp.maximum(x2 + w2 - 2.0 * xw, 1e-12)
    out_ref[...] = jnp.argmin(d2, axis=1).astype(jnp.int32)


def _winner_call(x, W, row_off, rows):
    grid = rows // _BB
    blk_off = row_off // _BB
    return pl.pallas_call(
        _winner_body,
        grid=(grid,),
        in_specs=[
            pl.BlockSpec((_BB, D), lambda i, o=blk_off: (i + o, 0)),
            pl.BlockSpec((C, D), lambda i: (0, 0)),
        ],
        out_specs=pl.BlockSpec((_BB,), lambda i: (i,)),
        out_shape=jax.ShapeDtypeStruct((rows,), jnp.int32),
    )(x, W)



_info = plsc.get_sparse_core_info()
_NC, _NS = _info.num_cores, _info.num_subcores
_NW = _NC * _NS
_CHUNK = 64


def _make_gather_body(bpw, offset):
    nchunk = bpw // _CHUNK

    def _gather_body(cw_hbm, idx_hbm, out_hbm, idx_v, rows_v, gsem,
                     wsem0, wsem1):
        cid = lax.axis_index("c")
        sid = lax.axis_index("s")
        wid = sid * _NC + cid
        base = wid * bpw
        pltpu.async_copy(idx_hbm.at[pl.ds(base, bpw)], idx_v, gsem).wait()
        wsems = (wsem0, wsem1)

        def write_copy(j):
            return pltpu.make_async_copy(
                rows_v.at[j % 2],
                out_hbm.at[pl.ds(offset + base + j * _CHUNK, _CHUNK)],
                wsems[j % 2])

        for j in range(nchunk):
            buf = j % 2
            if j >= 2:
                write_copy(j - 2).wait()
            pltpu.async_copy(
                cw_hbm.at[idx_v.at[pl.ds(j * _CHUNK, _CHUNK)]],
                rows_v.at[buf], gsem).wait()
            write_copy(j).start()
        for j in range(max(nchunk - 2, 0), nchunk):
            write_copy(j).wait()

    return _gather_body


def _gather_call(c_w, winner, preds_ref, offset):
    rows = winner.shape[0]
    bpw = rows // _NW
    mesh = plsc.VectorSubcoreMesh(core_axis_name="c", subcore_axis_name="s")
    k = functools.partial(
        pl.kernel,
        mesh=mesh,
        scratch_types=[
            pltpu.VMEM((bpw,), jnp.int32),
            pltpu.VMEM((2, _CHUNK, D), jnp.int32),
            pltpu.SemaphoreType.DMA,
            pltpu.SemaphoreType.DMA,
            pltpu.SemaphoreType.DMA,
        ],
    )(_make_gather_body(bpw, offset))
    k(c_w, winner, preds_ref)


_K = 4


def kernel(x, y, W, c_w):
    bc = B // _K
    preds_ref = jax.new_ref(lax.empty((B, D), jnp.int32))
    for k in range(_K):
        wk = _winner_call(x, W, k * bc, bc)
        _gather_call(c_w, wk, preds_ref, k * bc)
    return preds_ref[...]

# --- scband reference (transcript-rebuilt; emitter-appended) ---
"""Pipeline reference for scband-ialvq-pytorch-17600775979409 (READ-ONLY COPY).

The authoritative reference and input builder live on the scoring server;
editing this copy changes nothing except your own understanding.
"""

import jax, jax.numpy as jnp
import numpy as np

B, D, C = 16384, 512, 512


def setup_inputs(seed: int = 0) -> dict:
    key = jax.random.key(seed)
    k1, k2, k3 = jax.random.split(key, 3)
    x = jax.random.normal(k1, (B, D), dtype=jnp.float32)
    y = jax.random.randint(k2, (B,), 0, C)
    # Prototype init per _set_prototypes: class mean + uniform noise in [-1, 1)
    ones = jnp.ones((B,), dtype=jnp.float32)
    counts = jnp.maximum(jax.ops.segment_sum(ones, y, num_segments=C), 1.0)
    sums = jax.ops.segment_sum(x, y, num_segments=C)
    means = sums / counts[:, None]
    noise = jax.random.uniform(k3, (C, D), dtype=jnp.float32) * 2.0 - 1.0
    W = means + noise  # prototypes w_ [P, D], P = C (prototypes_per_class=1)
    # c_w_: row i filled with class label i (matches c_w_[pos:pos+1] = classes_[cls])
    c_w = jnp.broadcast_to(jnp.arange(C, dtype=jnp.int32)[:, None], (C, D))
    return {"x": x, "y": y, "W": W, "c_w": c_w}


def reference(x, y, W, c_w):
    # compute_distances: euclidean norm between each sample and each prototype
    # (expanded ||x - w||^2 = ||x||^2 + ||w||^2 - 2 x.w, math-equivalent to the
    # per-prototype torch.norm loop, expressed as one matmul)
    x2 = jnp.sum(x * x, axis=1, keepdims=True)            # [B, 1]
    w2 = jnp.sum(W * W, axis=1)[None, :]                  # [1, P]
    d2 = jnp.maximum(x2 + w2 - 2.0 * (x @ W.T), 1e-12)    # [B, P]
    distances = jnp.sqrt(d2)
    # preds = c_w_[argmin(distances, dim=1)]
    winner = jnp.argmin(distances, axis=1)                # [B]
    preds = jnp.take(c_w, winner, axis=0)                 # [B, D] int
    return preds

if __name__ == "__main__":
    import jax
    _d = setup_inputs()
    print(jax.jit(kernel)(*tuple(_d.values())))

</pallas_src>

<mosaic_0001>
#map = affine_map<(d0, d1) -> (0, 0)>
#map1 = affine_map<(d0, d1) -> (0)>
module attributes {stable_mosaic.version = 14 : i64} {
  func.func @new_body(%arg0: i32, %arg1: i32, %arg2: memref<512x512xi32, #tpu.memory_space<hbm>>, %arg3: memref<4096xi32, #tpu.memory_space<hbm>>, %arg4: memref<16384x512xi32, #tpu.memory_space<hbm>>, %arg5: memref<16384x512xi32, #tpu.memory_space<hbm>>, %arg6: memref<128xi32, #tpu.memory_space<vmem>>, %arg7: memref<2x64x512xi32, #tpu.memory_space<vmem>>, %arg8: memref<!tpu.dma_semaphore, #tpu.memory_space<semaphore_mem>>, %arg9: memref<!tpu.dma_semaphore, #tpu.memory_space<semaphore_mem>>, %arg10: memref<!tpu.dma_semaphore, #tpu.memory_space<semaphore_mem>>) attributes {dimension_semantics = [#tpu.dimension_semantics<core_parallel>, #tpu.dimension_semantics<subcore_parallel>], iteration_bounds = array<i64: 2, 16>, scalar_prefetch = 0 : i64, scratch_operands = 5 : i64, tpu.core_type = #tpu.core_type<sc_vector_subcore>, window_params = [{transform_indices = #map}, {transform_indices = #map1}, {transform_indices = #map}, {transform_indices = #map}]} {
    %mul3A = arith.constant 2 : i32
    %mul3A_0 = arith.muli %arg1, %mul3A : i32
    %add3A = arith.addi %mul3A_0, %arg0 : i32
    %mul3A_1 = arith.constant 128 : i32
    %mul3A_2 = arith.muli %add3A, %mul3A_1 : i32
    %dma_start3A = tpu.memref_slice %arg3[%mul3A_2] : memref<4096xi32, #tpu.memory_space<hbm>> -> memref<128xi32, #tpu.memory_space<hbm>>
    %dma_start3A_3 = tpu.memref_slice %arg3[%mul3A_2] : memref<4096xi32, #tpu.memory_space<hbm>> -> memref<128xi32, #tpu.memory_space<hbm>>
    tpu.enqueue_dma source(%dma_start3A_3 : memref<128xi32, #tpu.memory_space<hbm>>) target(%arg6 : memref<128xi32, #tpu.memory_space<vmem>>) target_semaphore(%arg8 : memref<!tpu.dma_semaphore, #tpu.memory_space<semaphore_mem>>)
    %dma_wait3A = tpu.memref_slice %arg3[%mul3A_2] : memref<4096xi32, #tpu.memory_space<hbm>> -> memref<128xi32, #tpu.memory_space<hbm>>
    %dma_wait3A_4 = tpu.memref_slice %arg3[%mul3A_2] : memref<4096xi32, #tpu.memory_space<hbm>> -> memref<128xi32, #tpu.memory_space<hbm>>
    tpu.wait_dma2 semaphore(%arg8 : memref<!tpu.dma_semaphore, #tpu.memory_space<semaphore_mem>>) src(%dma_wait3A_4 : memref<128xi32, #tpu.memory_space<hbm>>) dst(%arg6 : memref<128xi32, #tpu.memory_space<vmem>>)
    %dma_start3A_5 = arith.constant 0 : i32
    %dma_start3A_6 = arith.constant 0 : i32
    %dma_start3A_7 = arith.constant 0 : i32
    %dma_start3A_8 = tpu.memref_slice %arg7[%dma_start3A_5, %dma_start3A_6, %dma_start3A_7] : memref<2x64x512xi32, #tpu.memory_space<vmem>> -> memref<1x64x512xi32, #tpu.memory_space<vmem>>
    %dma_start3A_9 = tpu.memref_squeeze %dma_start3A_8 : memref<1x64x512xi32, #tpu.memory_space<vmem>> -> memref<64x512xi32, #tpu.memory_space<vmem>>
    %dma_start3A_10 = arith.constant 0 : i32
    %dma_start3A_11 = tpu.memref_slice %arg6[%dma_start3A_10] : memref<128xi32, #tpu.memory_space<vmem>> -> memref<64xi32, #tpu.memory_space<vmem>>
    %dma_start3A_12 = arith.constant 0 : i32
    %dma_start3A_13 = arith.constant 0 : i32
    %dma_start3A_14 = tpu.memref_slice %arg2[%dma_start3A_12, %dma_start3A_13] : memref<512x512xi32, #tpu.memory_space<hbm>> -> memref<512x512xi32, #tpu.memory_space<hbm>>
    tpu.enqueue_indirect_dma source(%dma_start3A_14 : memref<512x512xi32, #tpu.memory_space<hbm>>) target(%dma_start3A_9 : memref<64x512xi32, #tpu.memory_space<vmem>>) offsets(%dma_start3A_11 : memref<64xi32, #tpu.memory_space<vmem>>) semaphore(%arg8 : memref<!tpu.dma_semaphore, #tpu.memory_space<semaphore_mem>>)
    %dma_wait3A_15 = arith.constant 0 : i32
    %dma_wait3A_16 = arith.constant 0 : i32
    %dma_wait3A_17 = arith.constant 0 : i32
    %dma_wait3A_18 = tpu.memref_slice %arg7[%dma_wait3A_15, %dma_wait3A_16, %dma_wait3A_17] : memref<2x64x512xi32, #tpu.memory_space<vmem>> -> memref<1x64x512xi32, #tpu.memory_space<vmem>>
    %dma_wait3A_19 = tpu.memref_squeeze %dma_wait3A_18 : memref<1x64x512xi32, #tpu.memory_space<vmem>> -> memref<64x512xi32, #tpu.memory_space<vmem>>
    %dma_wait3A_20 = arith.constant 0 : i32
    %dma_wait3A_21 = tpu.memref_slice %arg6[%dma_wait3A_20] : memref<128xi32, #tpu.memory_space<vmem>> -> memref<64xi32, #tpu.memory_space<vmem>>
    %dma_wait3A_22 = arith.constant 0 : i32
    %dma_wait3A_23 = arith.constant 0 : i32
    %dma_wait3A_24 = tpu.memref_slice %arg2[%dma_wait3A_22, %dma_wait3A_23] : memref<512x512xi32, #tpu.memory_space<hbm>> -> memref<512x512xi32, #tpu.memory_space<hbm>>
    tpu.wait_indirect_dma semaphore(%arg8 : memref<!tpu.dma_semaphore, #tpu.memory_space<semaphore_mem>>) src(%dma_wait3A_24 : memref<512x512xi32, #tpu.memory_space<hbm>>) dst(%dma_wait3A_19 : memref<64x512xi32, #tpu.memory_space<vmem>>)
    %add3A_25 = arith.constant 12288 : i32
    %add3A_26 = arith.addi %add3A_25, %mul3A_2 : i32
    %add3A_27 = arith.constant 0 : i32
    %add3A_28 = arith.addi %add3A_26, %add3A_27 : i32
    %dma_start3A_29 = arith.constant 0 : i32
    %dma_start3A_30 = arith.constant 0 : i32
    %dma_start3A_31 = arith.constant 0 : i32
    %dma_start3A_32 = tpu.memref_slice %arg7[%dma_start3A_29, %dma_start3A_30, %dma_start3A_31] : memref<2x64x512xi32, #tpu.memory_space<vmem>> -> memref<1x64x512xi32, #tpu.memory_space<vmem>>
    %dma_start3A_33 = tpu.memref_squeeze %dma_start3A_32 : memref<1x64x512xi32, #tpu.memory_space<vmem>> -> memref<64x512xi32, #tpu.memory_space<vmem>>
    %dma_start3A_34 = arith.constant 0 : i32
    %dma_start3A_35 = tpu.memref_slice %arg4[%add3A_28, %dma_start3A_34] : memref<16384x512xi32, #tpu.memory_space<hbm>> -> memref<64x512xi32, #tpu.memory_space<hbm>>
    %dma_start3A_36 = arith.constant 0 : i32
    %dma_start3A_37 = tpu.memref_slice %arg4[%add3A_28, %dma_start3A_36] : memref<16384x512xi32, #tpu.memory_space<hbm>> -> memref<64x512xi32, #tpu.memory_space<hbm>>
    %dma_start3A_38 = arith.constant 0 : i32
    %dma_start3A_39 = arith.constant 0 : i32
    %dma_start3A_40 = tpu.memref_slice %arg7[%dma_start3A_29, %dma_start3A_38, %dma_start3A_39] : memref<2x64x512xi32, #tpu.memory_space<vmem>> -> memref<1x64x512xi32, #tpu.memory_space<vmem>>
    %dma_start3A_41 = tpu.memref_squeeze %dma_start3A_40 : memref<1x64x512xi32, #tpu.memory_space<vmem>> -> memref<64x512xi32, #tpu.memory_space<vmem>>
    tpu.enqueue_dma source(%dma_start3A_41 : memref<64x512xi32, #tpu.memory_space<vmem>>) target(%dma_start3A_37 : memref<64x512xi32, #tpu.memory_space<hbm>>) target_semaphore(%arg9 : memref<!tpu.dma_semaphore, #tpu.memory_space<semaphore_mem>>)
    %dma_start3A_42 = arith.constant 1 : i32
    %dma_start3A_43 = arith.constant 0 : i32
    %dma_start3A_44 = arith.constant 0 : i32
    %dma_start3A_45 = tpu.memref_slice %arg7[%dma_start3A_42, %dma_start3A_43, %dma_start3A_44] : memref<2x64x512xi32, #tpu.memory_space<vmem>> -> memref<1x64x512xi32, #tpu.memory_space<vmem>>
    %dma_start3A_46 = tpu.memref_squeeze %dma_start3A_45 : memref<1x64x512xi32, #tpu.memory_space<vmem>> -> memref<64x512xi32, #tpu.memory_space<vmem>>
    %dma_start3A_47 = arith.constant 64 : i32
    %dma_start3A_48 = tpu.memref_slice %arg6[%dma_start3A_47] : memref<128xi32, #tpu.memory_space<vmem>> -> memref<64xi32, #tpu.memory_space<vmem>>
    %dma_start3A_49 = arith.constant 0 : i32
    %dma_start3A_50 = arith.constant 0 : i32
    %dma_start3A_51 = tpu.memref_slice %arg2[%dma_start3A_49, %dma_start3A_50] : memref<512x512xi32, #tpu.memory_space<hbm>> -> memref<512x512xi32, #tpu.memory_space<hbm>>
    tpu.enqueue_indirect_dma source(%dma_start3A_51 : memref<512x512xi32, #tpu.memory_space<hbm>>) target(%dma_start3A_46 : memref<64x512xi32, #tpu.memory_space<vmem>>) offsets(%dma_start3A_48 : memref<64xi32, #tpu.memory_space<vmem>>) semaphore(%arg8 : memref<!tpu.dma_semaphore, #tpu.memory_space<semaphore_mem>>)
    %dma_wait3A_52 = arith.constant 1 : i32
    %dma_wait3A_53 = arith.constant 0 : i32
    %dma_wait3A_54 = arith.constant 0 : i32
    %dma_wait3A_55 = tpu.memref_slice %arg7[%dma_wait3A_52, %dma_wait3A_53, %dma_wait3A_54] : memref<2x64x512xi32, #tpu.memory_space<vmem>> -> memref<1x64x512xi32, #tpu.memory_space<vmem>>
    %dma_wait3A_56 = tpu.memref_squeeze %dma_wait3A_55 : memref<1x64x512xi32, #tpu.memory_space<vmem>> -> memref<64x512xi32, #tpu.memory_space<vmem>>
    %dma_wait3A_57 = arith.constant 64 : i32
    %dma_wait3A_58 = tpu.memref_slice %arg6[%dma_wait3A_57] : memref<128xi32, #tpu.memory_space<vmem>> -> memref<64xi32, #tpu.memory_space<vmem>>
    %dma_wait3A_59 = arith.constant 0 : i32
    %dma_wait3A_60 = arith.constant 0 : i32
    %dma_wait3A_61 = tpu.memref_slice %arg2[%dma_wait3A_59, %dma_wait3A_60] : memref<512x512xi32, #tpu.memory_space<hbm>> -> memref<512x512xi32, #tpu.memory_space<hbm>>
    tpu.wait_indirect_dma semaphore(%arg8 : memref<!tpu.dma_semaphore, #tpu.memory_space<semaphore_mem>>) src(%dma_wait3A_61 : memref<512x512xi32, #tpu.memory_space<hbm>>) dst(%dma_wait3A_56 : memref<64x512xi32, #tpu.memory_space<vmem>>)
    %add3A_62 = arith.constant 12288 : i32
    %add3A_63 = arith.addi %add3A_62, %mul3A_2 : i32
    %add3A_64 = arith.constant 64 : i32
    %add3A_65 = arith.addi %add3A_63, %add3A_64 : i32
    %dma_start3A_66 = arith.constant 1 : i32
    %dma_start3A_67 = arith.constant 0 : i32
    %dma_start3A_68 = arith.constant 0 : i32
    %dma_start3A_69 = tpu.memref_slice %arg7[%dma_start3A_66, %dma_start3A_67, %dma_start3A_68] : memref<2x64x512xi32, #tpu.memory_space<vmem>> -> memref<1x64x512xi32, #tpu.memory_space<vmem>>
    %dma_start3A_70 = tpu.memref_squeeze %dma_start3A_69 : memref<1x64x512xi32, #tpu.memory_space<vmem>> -> memref<64x512xi32, #tpu.memory_space<vmem>>
    %dma_start3A_71 = arith.constant 0 : i32
    %dma_start3A_72 = tpu.memref_slice %arg4[%add3A_65, %dma_start3A_71] : memref<16384x512xi32, #tpu.memory_space<hbm>> -> memref<64x512xi32, #tpu.memory_space<hbm>>
    %dma_start3A_73 = arith.constant 0 : i32
    %dma_start3A_74 = tpu.memref_slice %arg4[%add3A_65, %dma_start3A_73] : memref<16384x512xi32, #tpu.memory_space<hbm>> -> memref<64x512xi32, #tpu.memory_space<hbm>>
    %dma_start3A_75 = arith.constant 0 : i32
    %dma_start3A_76 = arith.constant 0 : i32
    %dma_start3A_77 = tpu.memref_slice %arg7[%dma_start3A_66, %dma_start3A_75, %dma_start3A_76] : memref<2x64x512xi32, #tpu.memory_space<vmem>> -> memref<1x64x512xi32, #tpu.memory_space<vmem>>
    %dma_start3A_78 = tpu.memref_squeeze %dma_start3A_77 : memref<1x64x512xi32, #tpu.memory_space<vmem>> -> memref<64x512xi32, #tpu.memory_space<vmem>>
    tpu.enqueue_dma source(%dma_start3A_78 : memref<64x512xi32, #tpu.memory_space<vmem>>) target(%dma_start3A_74 : memref<64x512xi32, #tpu.memory_space<hbm>>) target_semaphore(%arg10 : memref<!tpu.dma_semaphore, #tpu.memory_space<semaphore_mem>>)
    %add3A_79 = arith.constant 12288 : i32
    %add3A_80 = arith.addi %add3A_79, %mul3A_2 : i32
    %add3A_81 = arith.constant 0 : i32
    %add3A_82 = arith.addi %add3A_80, %add3A_81 : i32
    %dma_wait3A_83 = arith.constant 0 : i32
    %dma_wait3A_84 = arith.constant 0 : i32
    %dma_wait3A_85 = arith.constant 0 : i32
    %dma_wait3A_86 = tpu.memref_slice %arg7[%dma_wait3A_83, %dma_wait3A_84, %dma_wait3A_85] : memref<2x64x512xi32, #tpu.memory_space<vmem>> -> memref<1x64x512xi32, #tpu.memory_space<vmem>>
    %dma_wait3A_87 = tpu.memref_squeeze %dma_wait3A_86 : memref<1x64x512xi32, #tpu.memory_space<vmem>> -> memref<64x512xi32, #tpu.memory_space<vmem>>
    %dma_wait3A_88 = arith.constant 0 : i32
    %dma_wait3A_89 = tpu.memref_slice %arg4[%add3A_82, %dma_wait3A_88] : memref<16384x512xi32, #tpu.memory_space<hbm>> -> memref<64x512xi32, #tpu.memory_space<hbm>>
    %dma_wait3A_90 = arith.constant 0 : i32
    %dma_wait3A_91 = tpu.memref_slice %arg4[%add3A_82, %dma_wait3A_90] : memref<16384x512xi32, #tpu.memory_space<hbm>> -> memref<64x512xi32, #tpu.memory_space<hbm>>
    %dma_wait3A_92 = arith.constant 0 : i32
    %dma_wait3A_93 = arith.constant 0 : i32
    %dma_wait3A_94 = tpu.memref_slice %arg7[%dma_wait3A_83, %dma_wait3A_92, %dma_wait3A_93] : memref<2x64x512xi32, #tpu.memory_space<vmem>> -> memref<1x64x512xi32, #tpu.memory_space<vmem>>
    %dma_wait3A_95 = tpu.memref_squeeze %dma_wait3A_94 : memref<1x64x512xi32, #tpu.memory_space<vmem>> -> memref<64x512xi32, #tpu.memory_space<vmem>>
    tpu.wait_dma2 semaphore(%arg9 : memref<!tpu.dma_semaphore, #tpu.memory_space<semaphore_mem>>) src(%dma_wait3A_95 : memref<64x512xi32, #tpu.memory_space<vmem>>) dst(%dma_wait3A_91 : memref<64x512xi32, #tpu.memory_space<hbm>>)
    %add3A_96 = arith.constant 12288 : i32
    %add3A_97 = arith.addi %add3A_96, %mul3A_2 : i32
    %add3A_98 = arith.constant 64 : i32
    %add3A_99 = arith.addi %add3A_97, %add3A_98 : i32
    %dma_wait3A_100 = arith.constant 1 : i32
    %dma_wait3A_101 = arith.constant 0 : i32
    %dma_wait3A_102 = arith.constant 0 : i32
    %dma_wait3A_103 = tpu.memref_slice %arg7[%dma_wait3A_100, %dma_wait3A_101, %dma_wait3A_102] : memref<2x64x512xi32, #tpu.memory_space<vmem>> -> memref<1x64x512xi32, #tpu.memory_space<vmem>>
    %dma_wait3A_104 = tpu.memref_squeeze %dma_wait3A_103 : memref<1x64x512xi32, #tpu.memory_space<vmem>> -> memref<64x512xi32, #tpu.memory_space<vmem>>
    %dma_wait3A_105 = arith.constant 0 : i32
    %dma_wait3A_106 = tpu.memref_slice %arg4[%add3A_99, %dma_wait3A_105] : memref<16384x512xi32, #tpu.memory_space<hbm>> -> memref<64x512xi32, #tpu.memory_space<hbm>>
    %dma_wait3A_107 = arith.constant 0 : i32
    %dma_wait3A_108 = tpu.memref_slice %arg4[%add3A_99, %dma_wait3A_107] : memref<16384x512xi32, #tpu.memory_space<hbm>> -> memref<64x512xi32, #tpu.memory_space<hbm>>
    %dma_wait3A_109 = arith.constant 0 : i32
    %dma_wait3A_110 = arith.constant 0 : i32
    %dma_wait3A_111 = tpu.memref_slice %arg7[%dma_wait3A_100, %dma_wait3A_109, %dma_wait3A_110] : memref<2x64x512xi32, #tpu.memory_space<vmem>> -> memref<1x64x512xi32, #tpu.memory_space<vmem>>
    %dma_wait3A_112 = tpu.memref_squeeze %dma_wait3A_111 : memref<1x64x512xi32, #tpu.memory_space<vmem>> -> memref<64x512xi32, #tpu.memory_space<vmem>>
    tpu.wait_dma2 semaphore(%arg10 : memref<!tpu.dma_semaphore, #tpu.memory_space<semaphore_mem>>) src(%dma_wait3A_112 : memref<64x512xi32, #tpu.memory_space<vmem>>) dst(%dma_wait3A_108 : memref<64x512xi32, #tpu.memory_space<hbm>>)
    return
  }
}

#map = affine_map<(d0, d1) -> (0, 0)>
#map1 = affine_map<(d0, d1) -> (0)>
module attributes {stable_mosaic.version = 14 : i64} {
  func.func @new_body(%arg0: i32, %arg1: i32, %arg2: memref<512x512xi32, #tpu.memory_space<hbm>>, %arg3: memref<4096xi32, #tpu.memory_space<hbm>>, %arg4: memref<16384x512xi32, #tpu.memory_space<hbm>>, %arg5: memref<16384x512xi32, #tpu.memory_space<hbm>>, %arg6: memref<128xi32, #tpu.memory_space<vmem>>, %arg7: memref<2x64x512xi32, #tpu.memory_space<vmem>>, %arg8: memref<!tpu.dma_semaphore, #tpu.memory_space<semaphore_mem>>, %arg9: memref<!tpu.dma_semaphore, #tpu.memory_space<semaphore_mem>>, %arg10: memref<!tpu.dma_semaphore, #tpu.memory_space<semaphore_mem>>) attributes {dimension_semantics = [#tpu.dimension_semantics<core_parallel>, #tpu.dimension_semantics<subcore_parallel>], iteration_bounds = array<i64: 2, 16>, scalar_prefetch = 0 : i64, scratch_operands = 5 : i64, tpu.core_type = #tpu.core_type<sc_vector_subcore>, window_params = [{transform_indices = #map}, {transform_indices = #map1}, {transform_indices = #map}, {transform_indices = #map}]} {
    %mul3A = arith.constant 2 : i32
    %mul3A_0 = arith.muli %arg1, %mul3A : i32
    %add3A = arith.addi %mul3A_0, %arg0 : i32
    %mul3A_1 = arith.constant 128 : i32
    %mul3A_2 = arith.muli %add3A, %mul3A_1 : i32
    %dma_start3A = tpu.memref_slice %arg3[%mul3A_2] : memref<4096xi32, #tpu.memory_space<hbm>> -> memref<128xi32, #tpu.memory_space<hbm>>
    %dma_start3A_3 = tpu.memref_slice %arg3[%mul3A_2] : memref<4096xi32, #tpu.memory_space<hbm>> -> memref<128xi32, #tpu.memory_space<hbm>>
    tpu.enqueue_dma source(%dma_start3A_3 : memref<128xi32, #tpu.memory_space<hbm>>) target(%arg6 : memref<128xi32, #tpu.memory_space<vmem>>) target_semaphore(%arg8 : memref<!tpu.dma_semaphore, #tpu.memory_space<semaphore_mem>>)
    %dma_wait3A = tpu.memref_slice %arg3[%mul3A_2] : memref<4096xi32, #tpu.memory_space<hbm>> -> memref<128xi32, #tpu.memory_space<hbm>>
    %dma_wait3A_4 = tpu.memref_slice %arg3[%mul3A_2] : memref<4096xi32, #tpu.memory_space<hbm>> -> memref<128xi32, #tpu.memory_space<hbm>>
    tpu.wait_dma2 semaphore(%arg8 : memref<!tpu.dma_semaphore, #tpu.memory_space<semaphore_mem>>) src(%dma_wait3A_4 : memref<128xi32, #tpu.memory_space<hbm>>) dst(%arg6 : memref<128xi32, #tpu.memory_space<vmem>>)
    %dma_start3A_5 = arith.constant 0 : i32
    %dma_start3A_6 = arith.constant 0 : i32
    %dma_start3A_7 = arith.constant 0 : i32
    %dma_start3A_8 = tpu.memref_slice %arg7[%dma_start3A_5, %dma_start3A_6, %dma_start3A_7] : memref<2x64x512xi32, #tpu.memory_space<vmem>> -> memref<1x64x512xi32, #tpu.memory_space<vmem>>
    %dma_start3A_9 = tpu.memref_squeeze %dma_start3A_8 : memref<1x64x512xi32, #tpu.memory_space<vmem>> -> memref<64x512xi32, #tpu.memory_space<vmem>>
    %dma_start3A_10 = arith.constant 0 : i32
    %dma_start3A_11 = tpu.memref_slice %arg6[%dma_start3A_10] : memref<128xi32, #tpu.memory_space<vmem>> -> memref<64xi32, #tpu.memory_space<vmem>>
    %dma_start3A_12 = arith.constant 0 : i32
    %dma_start3A_13 = arith.constant 0 : i32
    %dma_start3A_14 = tpu.memref_slice %arg2[%dma_start3A_12, %dma_start3A_13] : memref<512x512xi32, #tpu.memory_space<hbm>> -> memref<512x512xi32, #tpu.memory_space<hbm>>
    tpu.enqueue_indirect_dma source(%dma_start3A_14 : memref<512x512xi32, #tpu.memory_space<hbm>>) target(%dma_start3A_9 : memref<64x512xi32, #tpu.memory_space<vmem>>) offsets(%dma_start3A_11 : memref<64xi32, #tpu.memory_space<vmem>>) semaphore(%arg8 : memref<!tpu.dma_semaphore, #tpu.memory_space<semaphore_mem>>)
    %dma_wait3A_15 = arith.constant 0 : i32
    %dma_wait3A_16 = arith.constant 0 : i32
    %dma_wait3A_17 = arith.constant 0 : i32
    %dma_wait3A_18 = tpu.memref_slice %arg7[%dma_wait3A_15, %dma_wait3A_16, %dma_wait3A_17] : memref<2x64x512xi32, #tpu.memory_space<vmem>> -> memref<1x64x512xi32, #tpu.memory_space<vmem>>
    %dma_wait3A_19 = tpu.memref_squeeze %dma_wait3A_18 : memref<1x64x512xi32, #tpu.memory_space<vmem>> -> memref<64x512xi32, #tpu.memory_space<vmem>>
    %dma_wait3A_20 = arith.constant 0 : i32
    %dma_wait3A_21 = tpu.memref_slice %arg6[%dma_wait3A_20] : memref<128xi32, #tpu.memory_space<vmem>> -> memref<64xi32, #tpu.memory_space<vmem>>
    %dma_wait3A_22 = arith.constant 0 : i32
    %dma_wait3A_23 = arith.constant 0 : i32
    %dma_wait3A_24 = tpu.memref_slice %arg2[%dma_wait3A_22, %dma_wait3A_23] : memref<512x512xi32, #tpu.memory_space<hbm>> -> memref<512x512xi32, #tpu.memory_space<hbm>>
    tpu.wait_indirect_dma semaphore(%arg8 : memref<!tpu.dma_semaphore, #tpu.memory_space<semaphore_mem>>) src(%dma_wait3A_24 : memref<512x512xi32, #tpu.memory_space<hbm>>) dst(%dma_wait3A_19 : memref<64x512xi32, #tpu.memory_space<vmem>>)
    %add3A_25 = arith.constant 4096 : i32
    %add3A_26 = arith.addi %add3A_25, %mul3A_2 : i32
    %add3A_27 = arith.constant 0 : i32
    %add3A_28 = arith.addi %add3A_26, %add3A_27 : i32
    %dma_start3A_29 = arith.constant 0 : i32
    %dma_start3A_30 = arith.constant 0 : i32
    %dma_start3A_31 = arith.constant 0 : i32
    %dma_start3A_32 = tpu.memref_slice %arg7[%dma_start3A_29, %dma_start3A_30, %dma_start3A_31] : memref<2x64x512xi32, #tpu.memory_space<vmem>> -> memref<1x64x512xi32, #tpu.memory_space<vmem>>
    %dma_start3A_33 = tpu.memref_squeeze %dma_start3A_32 : memref<1x64x512xi32, #tpu.memory_space<vmem>> -> memref<64x512xi32, #tpu.memory_space<vmem>>
    %dma_start3A_34 = arith.constant 0 : i32
    %dma_start3A_35 = tpu.memref_slice %arg4[%add3A_28, %dma_start3A_34] : memref<16384x512xi32, #tpu.memory_space<hbm>> -> memref<64x512xi32, #tpu.memory_space<hbm>>
    %dma_start3A_36 = arith.constant 0 : i32
    %dma_start3A_37 = tpu.memref_slice %arg4[%add3A_28, %dma_start3A_36] : memref<16384x512xi32, #tpu.memory_space<hbm>> -> memref<64x512xi32, #tpu.memory_space<hbm>>
    %dma_start3A_38 = arith.constant 0 : i32
    %dma_start3A_39 = arith.constant 0 : i32
    %dma_start3A_40 = tpu.memref_slice %arg7[%dma_start3A_29, %dma_start3A_38, %dma_start3A_39] : memref<2x64x512xi32, #tpu.memory_space<vmem>> -> memref<1x64x512xi32, #tpu.memory_space<vmem>>
    %dma_start3A_41 = tpu.memref_squeeze %dma_start3A_40 : memref<1x64x512xi32, #tpu.memory_space<vmem>> -> memref<64x512xi32, #tpu.memory_space<vmem>>
    tpu.enqueue_dma source(%dma_start3A_41 : memref<64x512xi32, #tpu.memory_space<vmem>>) target(%dma_start3A_37 : memref<64x512xi32, #tpu.memory_space<hbm>>) target_semaphore(%arg9 : memref<!tpu.dma_semaphore, #tpu.memory_space<semaphore_mem>>)
    %dma_start3A_42 = arith.constant 1 : i32
    %dma_start3A_43 = arith.constant 0 : i32
    %dma_start3A_44 = arith.constant 0 : i32
    %dma_start3A_45 = tpu.memref_slice %arg7[%dma_start3A_42, %dma_start3A_43, %dma_start3A_44] : memref<2x64x512xi32, #tpu.memory_space<vmem>> -> memref<1x64x512xi32, #tpu.memory_space<vmem>>
    %dma_start3A_46 = tpu.memref_squeeze %dma_start3A_45 : memref<1x64x512xi32, #tpu.memory_space<vmem>> -> memref<64x512xi32, #tpu.memory_space<vmem>>
    %dma_start3A_47 = arith.constant 64 : i32
    %dma_start3A_48 = tpu.memref_slice %arg6[%dma_start3A_47] : memref<128xi32, #tpu.memory_space<vmem>> -> memref<64xi32, #tpu.memory_space<vmem>>
    %dma_start3A_49 = arith.constant 0 : i32
    %dma_start3A_50 = arith.constant 0 : i32
    %dma_start3A_51 = tpu.memref_slice %arg2[%dma_start3A_49, %dma_start3A_50] : memref<512x512xi32, #tpu.memory_space<hbm>> -> memref<512x512xi32, #tpu.memory_space<hbm>>
    tpu.enqueue_indirect_dma source(%dma_start3A_51 : memref<512x512xi32, #tpu.memory_space<hbm>>) target(%dma_start3A_46 : memref<64x512xi32, #tpu.memory_space<vmem>>) offsets(%dma_start3A_48 : memref<64xi32, #tpu.memory_space<vmem>>) semaphore(%arg8 : memref<!tpu.dma_semaphore, #tpu.memory_space<semaphore_mem>>)
    %dma_wait3A_52 = arith.constant 1 : i32
    %dma_wait3A_53 = arith.constant 0 : i32
    %dma_wait3A_54 = arith.constant 0 : i32
    %dma_wait3A_55 = tpu.memref_slice %arg7[%dma_wait3A_52, %dma_wait3A_53, %dma_wait3A_54] : memref<2x64x512xi32, #tpu.memory_space<vmem>> -> memref<1x64x512xi32, #tpu.memory_space<vmem>>
    %dma_wait3A_56 = tpu.memref_squeeze %dma_wait3A_55 : memref<1x64x512xi32, #tpu.memory_space<vmem>> -> memref<64x512xi32, #tpu.memory_space<vmem>>
    %dma_wait3A_57 = arith.constant 64 : i32
    %dma_wait3A_58 = tpu.memref_slice %arg6[%dma_wait3A_57] : memref<128xi32, #tpu.memory_space<vmem>> -> memref<64xi32, #tpu.memory_space<vmem>>
    %dma_wait3A_59 = arith.constant 0 : i32
    %dma_wait3A_60 = arith.constant 0 : i32
    %dma_wait3A_61 = tpu.memref_slice %arg2[%dma_wait3A_59, %dma_wait3A_60] : memref<512x512xi32, #tpu.memory_space<hbm>> -> memref<512x512xi32, #tpu.memory_space<hbm>>
    tpu.wait_indirect_dma semaphore(%arg8 : memref<!tpu.dma_semaphore, #tpu.memory_space<semaphore_mem>>) src(%dma_wait3A_61 : memref<512x512xi32, #tpu.memory_space<hbm>>) dst(%dma_wait3A_56 : memref<64x512xi32, #tpu.memory_space<vmem>>)
    %add3A_62 = arith.constant 4096 : i32
    %add3A_63 = arith.addi %add3A_62, %mul3A_2 : i32
    %add3A_64 = arith.constant 64 : i32
    %add3A_65 = arith.addi %add3A_63, %add3A_64 : i32
    %dma_start3A_66 = arith.constant 1 : i32
    %dma_start3A_67 = arith.constant 0 : i32
    %dma_start3A_68 = arith.constant 0 : i32
    %dma_start3A_69 = tpu.memref_slice %arg7[%dma_start3A_66, %dma_start3A_67, %dma_start3A_68] : memref<2x64x512xi32, #tpu.memory_space<vmem>> -> memref<1x64x512xi32, #tpu.memory_space<vmem>>
    %dma_start3A_70 = tpu.memref_squeeze %dma_start3A_69 : memref<1x64x512xi32, #tpu.memory_space<vmem>> -> memref<64x512xi32, #tpu.memory_space<vmem>>
    %dma_start3A_71 = arith.constant 0 : i32
    %dma_start3A_72 = tpu.memref_slice %arg4[%add3A_65, %dma_start3A_71] : memref<16384x512xi32, #tpu.memory_space<hbm>> -> memref<64x512xi32, #tpu.memory_space<hbm>>
    %dma_start3A_73 = arith.constant 0 : i32
    %dma_start3A_74 = tpu.memref_slice %arg4[%add3A_65, %dma_start3A_73] : memref<16384x512xi32, #tpu.memory_space<hbm>> -> memref<64x512xi32, #tpu.memory_space<hbm>>
    %dma_start3A_75 = arith.constant 0 : i32
    %dma_start3A_76 = arith.constant 0 : i32
    %dma_start3A_77 = tpu.memref_slice %arg7[%dma_start3A_66, %dma_start3A_75, %dma_start3A_76] : memref<2x64x512xi32, #tpu.memory_space<vmem>> -> memref<1x64x512xi32, #tpu.memory_space<vmem>>
    %dma_start3A_78 = tpu.memref_squeeze %dma_start3A_77 : memref<1x64x512xi32, #tpu.memory_space<vmem>> -> memref<64x512xi32, #tpu.memory_space<vmem>>
    tpu.enqueue_dma source(%dma_start3A_78 : memref<64x512xi32, #tpu.memory_space<vmem>>) target(%dma_start3A_74 : memref<64x512xi32, #tpu.memory_space<hbm>>) target_semaphore(%arg10 : memref<!tpu.dma_semaphore, #tpu.memory_space<semaphore_mem>>)
    %add3A_79 = arith.constant 4096 : i32
    %add3A_80 = arith.addi %add3A_79, %mul3A_2 : i32
    %add3A_81 = arith.constant 0 : i32
    %add3A_82 = arith.addi %add3A_80, %add3A_81 : i32
    %dma_wait3A_83 = arith.constant 0 : i32
    %dma_wait3A_84 = arith.constant 0 : i32
    %dma_wait3A_85 = arith.constant 0 : i32
    %dma_wait3A_86 = tpu.memref_slice %arg7[%dma_wait3A_83, %dma_wait3A_84, %dma_wait3A_85] : memref<2x64x512xi32, #tpu.memory_space<vmem>> -> memref<1x64x512xi32, #tpu.memory_space<vmem>>
    %dma_wait3A_87 = tpu.memref_squeeze %dma_wait3A_86 : memref<1x64x512xi32, #tpu.memory_space<vmem>> -> memref<64x512xi32, #tpu.memory_space<vmem>>
    %dma_wait3A_88 = arith.constant 0 : i32
    %dma_wait3A_89 = tpu.memref_slice %arg4[%add3A_82, %dma_wait3A_88] : memref<16384x512xi32, #tpu.memory_space<hbm>> -> memref<64x512xi32, #tpu.memory_space<hbm>>
    %dma_wait3A_90 = arith.constant 0 : i32
    %dma_wait3A_91 = tpu.memref_slice %arg4[%add3A_82, %dma_wait3A_90] : memref<16384x512xi32, #tpu.memory_space<hbm>> -> memref<64x512xi32, #tpu.memory_space<hbm>>
    %dma_wait3A_92 = arith.constant 0 : i32
    %dma_wait3A_93 = arith.constant 0 : i32
    %dma_wait3A_94 = tpu.memref_slice %arg7[%dma_wait3A_83, %dma_wait3A_92, %dma_wait3A_93] : memref<2x64x512xi32, #tpu.memory_space<vmem>> -> memref<1x64x512xi32, #tpu.memory_space<vmem>>
    %dma_wait3A_95 = tpu.memref_squeeze %dma_wait3A_94 : memref<1x64x512xi32, #tpu.memory_space<vmem>> -> memref<64x512xi32, #tpu.memory_space<vmem>>
    tpu.wait_dma2 semaphore(%arg9 : memref<!tpu.dma_semaphore, #tpu.memory_space<semaphore_mem>>) src(%dma_wait3A_95 : memref<64x512xi32, #tpu.memory_space<vmem>>) dst(%dma_wait3A_91 : memref<64x512xi32, #tpu.memory_space<hbm>>)
    %add3A_96 = arith.constant 4096 : i32
    %add3A_97 = arith.addi %add3A_96, %mul3A_2 : i32
    %add3A_98 = arith.constant 64 : i32
    %add3A_99 = arith.addi %add3A_97, %add3A_98 : i32
    %dma_wait3A_100 = arith.constant 1 : i32
    %dma_wait3A_101 = arith.constant 0 : i32
    %dma_wait3A_102 = arith.constant 0 : i32
    %dma_wait3A_103 = tpu.memref_slice %arg7[%dma_wait3A_100, %dma_wait3A_101, %dma_wait3A_102] : memref<2x64x512xi32, #tpu.memory_space<vmem>> -> memref<1x64x512xi32, #tpu.memory_space<vmem>>
    %dma_wait3A_104 = tpu.memref_squeeze %dma_wait3A_103 : memref<1x64x512xi32, #tpu.memory_space<vmem>> -> memref<64x512xi32, #tpu.memory_space<vmem>>
    %dma_wait3A_105 = arith.constant 0 : i32
    %dma_wait3A_106 = tpu.memref_slice %arg4[%add3A_99, %dma_wait3A_105] : memref<16384x512xi32, #tpu.memory_space<hbm>> -> memref<64x512xi32, #tpu.memory_space<hbm>>
    %dma_wait3A_107 = arith.constant 0 : i32
    %dma_wait3A_108 = tpu.memref_slice %arg4[%add3A_99, %dma_wait3A_107] : memref<16384x512xi32, #tpu.memory_space<hbm>> -> memref<64x512xi32, #tpu.memory_space<hbm>>
    %dma_wait3A_109 = arith.constant 0 : i32
    %dma_wait3A_110 = arith.constant 0 : i32
    %dma_wait3A_111 = tpu.memref_slice %arg7[%dma_wait3A_100, %dma_wait3A_109, %dma_wait3A_110] : memref<2x64x512xi32, #tpu.memory_space<vmem>> -> memref<1x64x512xi32, #tpu.memory_space<vmem>>
    %dma_wait3A_112 = tpu.memref_squeeze %dma_wait3A_111 : memref<1x64x512xi32, #tpu.memory_space<vmem>> -> memref<64x512xi32, #tpu.memory_space<vmem>>
    tpu.wait_dma2 semaphore(%arg10 : memref<!tpu.dma_semaphore, #tpu.memory_space<semaphore_mem>>) src(%dma_wait3A_112 : memref<64x512xi32, #tpu.memory_space<vmem>>) dst(%dma_wait3A_108 : memref<64x512xi32, #tpu.memory_space<hbm>>)
    return
  }
}

#map = affine_map<(d0, d1) -> (0, 0)>
#map1 = affine_map<(d0, d1) -> (0)>
module attributes {stable_mosaic.version = 14 : i64} {
  func.func @new_body(%arg0: i32, %arg1: i32, %arg2: memref<512x512xi32, #tpu.memory_space<hbm>>, %arg3: memref<4096xi32, #tpu.memory_space<hbm>>, %arg4: memref<16384x512xi32, #tpu.memory_space<hbm>>, %arg5: memref<16384x512xi32, #tpu.memory_space<hbm>>, %arg6: memref<128xi32, #tpu.memory_space<vmem>>, %arg7: memref<2x64x512xi32, #tpu.memory_space<vmem>>, %arg8: memref<!tpu.dma_semaphore, #tpu.memory_space<semaphore_mem>>, %arg9: memref<!tpu.dma_semaphore, #tpu.memory_space<semaphore_mem>>, %arg10: memref<!tpu.dma_semaphore, #tpu.memory_space<semaphore_mem>>) attributes {dimension_semantics = [#tpu.dimension_semantics<core_parallel>, #tpu.dimension_semantics<subcore_parallel>], iteration_bounds = array<i64: 2, 16>, scalar_prefetch = 0 : i64, scratch_operands = 5 : i64, tpu.core_type = #tpu.core_type<sc_vector_subcore>, window_params = [{transform_indices = #map}, {transform_indices = #map1}, {transform_indices = #map}, {transform_indices = #map}]} {
    %mul3A = arith.constant 2 : i32
    %mul3A_0 = arith.muli %arg1, %mul3A : i32
    %add3A = arith.addi %mul3A_0, %arg0 : i32
    %mul3A_1 = arith.constant 128 : i32
    %mul3A_2 = arith.muli %add3A, %mul3A_1 : i32
    %dma_start3A = tpu.memref_slice %arg3[%mul3A_2] : memref<4096xi32, #tpu.memory_space<hbm>> -> memref<128xi32, #tpu.memory_space<hbm>>
    %dma_start3A_3 = tpu.memref_slice %arg3[%mul3A_2] : memref<4096xi32, #tpu.memory_space<hbm>> -> memref<128xi32, #tpu.memory_space<hbm>>
    tpu.enqueue_dma source(%dma_start3A_3 : memref<128xi32, #tpu.memory_space<hbm>>) target(%arg6 : memref<128xi32, #tpu.memory_space<vmem>>) target_semaphore(%arg8 : memref<!tpu.dma_semaphore, #tpu.memory_space<semaphore_mem>>)
    %dma_wait3A = tpu.memref_slice %arg3[%mul3A_2] : memref<4096xi32, #tpu.memory_space<hbm>> -> memref<128xi32, #tpu.memory_space<hbm>>
    %dma_wait3A_4 = tpu.memref_slice %arg3[%mul3A_2] : memref<4096xi32, #tpu.memory_space<hbm>> -> memref<128xi32, #tpu.memory_space<hbm>>
    tpu.wait_dma2 semaphore(%arg8 : memref<!tpu.dma_semaphore, #tpu.memory_space<semaphore_mem>>) src(%dma_wait3A_4 : memref<128xi32, #tpu.memory_space<hbm>>) dst(%arg6 : memref<128xi32, #tpu.memory_space<vmem>>)
    %dma_start3A_5 = arith.constant 0 : i32
    %dma_start3A_6 = arith.constant 0 : i32
    %dma_start3A_7 = arith.constant 0 : i32
    %dma_start3A_8 = tpu.memref_slice %arg7[%dma_start3A_5, %dma_start3A_6, %dma_start3A_7] : memref<2x64x512xi32, #tpu.memory_space<vmem>> -> memref<1x64x512xi32, #tpu.memory_space<vmem>>
    %dma_start3A_9 = tpu.memref_squeeze %dma_start3A_8 : memref<1x64x512xi32, #tpu.memory_space<vmem>> -> memref<64x512xi32, #tpu.memory_space<vmem>>
    %dma_start3A_10 = arith.constant 0 : i32
    %dma_start3A_11 = tpu.memref_slice %arg6[%dma_start3A_10] : memref<128xi32, #tpu.memory_space<vmem>> -> memref<64xi32, #tpu.memory_space<vmem>>
    %dma_start3A_12 = arith.constant 0 : i32
    %dma_start3A_13 = arith.constant 0 : i32
    %dma_start3A_14 = tpu.memref_slice %arg2[%dma_start3A_12, %dma_start3A_13] : memref<512x512xi32, #tpu.memory_space<hbm>> -> memref<512x512xi32, #tpu.memory_space<hbm>>
    tpu.enqueue_indirect_dma source(%dma_start3A_14 : memref<512x512xi32, #tpu.memory_space<hbm>>) target(%dma_start3A_9 : memref<64x512xi32, #tpu.memory_space<vmem>>) offsets(%dma_start3A_11 : memref<64xi32, #tpu.memory_space<vmem>>) semaphore(%arg8 : memref<!tpu.dma_semaphore, #tpu.memory_space<semaphore_mem>>)
    %dma_wait3A_15 = arith.constant 0 : i32
    %dma_wait3A_16 = arith.constant 0 : i32
    %dma_wait3A_17 = arith.constant 0 : i32
    %dma_wait3A_18 = tpu.memref_slice %arg7[%dma_wait3A_15, %dma_wait3A_16, %dma_wait3A_17] : memref<2x64x512xi32, #tpu.memory_space<vmem>> -> memref<1x64x512xi32, #tpu.memory_space<vmem>>
    %dma_wait3A_19 = tpu.memref_squeeze %dma_wait3A_18 : memref<1x64x512xi32, #tpu.memory_space<vmem>> -> memref<64x512xi32, #tpu.memory_space<vmem>>
    %dma_wait3A_20 = arith.constant 0 : i32
    %dma_wait3A_21 = tpu.memref_slice %arg6[%dma_wait3A_20] : memref<128xi32, #tpu.memory_space<vmem>> -> memref<64xi32, #tpu.memory_space<vmem>>
    %dma_wait3A_22 = arith.constant 0 : i32
    %dma_wait3A_23 = arith.constant 0 : i32
    %dma_wait3A_24 = tpu.memref_slice %arg2[%dma_wait3A_22, %dma_wait3A_23] : memref<512x512xi32, #tpu.memory_space<hbm>> -> memref<512x512xi32, #tpu.memory_space<hbm>>
    tpu.wait_indirect_dma semaphore(%arg8 : memref<!tpu.dma_semaphore, #tpu.memory_space<semaphore_mem>>) src(%dma_wait3A_24 : memref<512x512xi32, #tpu.memory_space<hbm>>) dst(%dma_wait3A_19 : memref<64x512xi32, #tpu.memory_space<vmem>>)
    %add3A_25 = arith.constant 0 : i32
    %add3A_26 = arith.addi %add3A_25, %mul3A_2 : i32
    %add3A_27 = arith.constant 0 : i32
    %add3A_28 = arith.addi %add3A_26, %add3A_27 : i32
    %dma_start3A_29 = arith.constant 0 : i32
    %dma_start3A_30 = arith.constant 0 : i32
    %dma_start3A_31 = arith.constant 0 : i32
    %dma_start3A_32 = tpu.memref_slice %arg7[%dma_start3A_29, %dma_start3A_30, %dma_start3A_31] : memref<2x64x512xi32, #tpu.memory_space<vmem>> -> memref<1x64x512xi32, #tpu.memory_space<vmem>>
    %dma_start3A_33 = tpu.memref_squeeze %dma_start3A_32 : memref<1x64x512xi32, #tpu.memory_space<vmem>> -> memref<64x512xi32, #tpu.memory_space<vmem>>
    %dma_start3A_34 = arith.constant 0 : i32
    %dma_start3A_35 = tpu.memref_slice %arg4[%add3A_28, %dma_start3A_34] : memref<16384x512xi32, #tpu.memory_space<hbm>> -> memref<64x512xi32, #tpu.memory_space<hbm>>
    %dma_start3A_36 = arith.constant 0 : i32
    %dma_start3A_37 = tpu.memref_slice %arg4[%add3A_28, %dma_start3A_36] : memref<16384x512xi32, #tpu.memory_space<hbm>> -> memref<64x512xi32, #tpu.memory_space<hbm>>
    %dma_start3A_38 = arith.constant 0 : i32
    %dma_start3A_39 = arith.constant 0 : i32
    %dma_start3A_40 = tpu.memref_slice %arg7[%dma_start3A_29, %dma_start3A_38, %dma_start3A_39] : memref<2x64x512xi32, #tpu.memory_space<vmem>> -> memref<1x64x512xi32, #tpu.memory_space<vmem>>
    %dma_start3A_41 = tpu.memref_squeeze %dma_start3A_40 : memref<1x64x512xi32, #tpu.memory_space<vmem>> -> memref<64x512xi32, #tpu.memory_space<vmem>>
    tpu.enqueue_dma source(%dma_start3A_41 : memref<64x512xi32, #tpu.memory_space<vmem>>) target(%dma_start3A_37 : memref<64x512xi32, #tpu.memory_space<hbm>>) target_semaphore(%arg9 : memref<!tpu.dma_semaphore, #tpu.memory_space<semaphore_mem>>)
    %dma_start3A_42 = arith.constant 1 : i32
    %dma_start3A_43 = arith.constant 0 : i32
    %dma_start3A_44 = arith.constant 0 : i32
    %dma_start3A_45 = tpu.memref_slice %arg7[%dma_start3A_42, %dma_start3A_43, %dma_start3A_44] : memref<2x64x512xi32, #tpu.memory_space<vmem>> -> memref<1x64x512xi32, #tpu.memory_space<vmem>>
    %dma_start3A_46 = tpu.memref_squeeze %dma_start3A_45 : memref<1x64x512xi32, #tpu.memory_space<vmem>> -> memref<64x512xi32, #tpu.memory_space<vmem>>
    %dma_start3A_47 = arith.constant 64 : i32
    %dma_start3A_48 = tpu.memref_slice %arg6[%dma_start3A_47] : memref<128xi32, #tpu.memory_space<vmem>> -> memref<64xi32, #tpu.memory_space<vmem>>
    %dma_start3A_49 = arith.constant 0 : i32
    %dma_start3A_50 = arith.constant 0 : i32
    %dma_start3A_51 = tpu.memref_slice %arg2[%dma_start3A_49, %dma_start3A_50] : memref<512x512xi32, #tpu.memory_space<hbm>> -> memref<512x512xi32, #tpu.memory_space<hbm>>
    tpu.enqueue_indirect_dma source(%dma_start3A_51 : memref<512x512xi32, #tpu.memory_space<hbm>>) target(%dma_start3A_46 : memref<64x512xi32, #tpu.memory_space<vmem>>) offsets(%dma_start3A_48 : memref<64xi32, #tpu.memory_space<vmem>>) semaphore(%arg8 : memref<!tpu.dma_semaphore, #tpu.memory_space<semaphore_mem>>)
    %dma_wait3A_52 = arith.constant 1 : i32
    %dma_wait3A_53 = arith.constant 0 : i32
    %dma_wait3A_54 = arith.constant 0 : i32
    %dma_wait3A_55 = tpu.memref_slice %arg7[%dma_wait3A_52, %dma_wait3A_53, %dma_wait3A_54] : memref<2x64x512xi32, #tpu.memory_space<vmem>> -> memref<1x64x512xi32, #tpu.memory_space<vmem>>
    %dma_wait3A_56 = tpu.memref_squeeze %dma_wait3A_55 : memref<1x64x512xi32, #tpu.memory_space<vmem>> -> memref<64x512xi32, #tpu.memory_space<vmem>>
    %dma_wait3A_57 = arith.constant 64 : i32
    %dma_wait3A_58 = tpu.memref_slice %arg6[%dma_wait3A_57] : memref<128xi32, #tpu.memory_space<vmem>> -> memref<64xi32, #tpu.memory_space<vmem>>
    %dma_wait3A_59 = arith.constant 0 : i32
    %dma_wait3A_60 = arith.constant 0 : i32
    %dma_wait3A_61 = tpu.memref_slice %arg2[%dma_wait3A_59, %dma_wait3A_60] : memref<512x512xi32, #tpu.memory_space<hbm>> -> memref<512x512xi32, #tpu.memory_space<hbm>>
    tpu.wait_indirect_dma semaphore(%arg8 : memref<!tpu.dma_semaphore, #tpu.memory_space<semaphore_mem>>) src(%dma_wait3A_61 : memref<512x512xi32, #tpu.memory_space<hbm>>) dst(%dma_wait3A_56 : memref<64x512xi32, #tpu.memory_space<vmem>>)
    %add3A_62 = arith.constant 0 : i32
    %add3A_63 = arith.addi %add3A_62, %mul3A_2 : i32
    %add3A_64 = arith.constant 64 : i32
    %add3A_65 = arith.addi %add3A_63, %add3A_64 : i32
    %dma_start3A_66 = arith.constant 1 : i32
    %dma_start3A_67 = arith.constant 0 : i32
    %dma_start3A_68 = arith.constant 0 : i32
    %dma_start3A_69 = tpu.memref_slice %arg7[%dma_start3A_66, %dma_start3A_67, %dma_start3A_68] : memref<2x64x512xi32, #tpu.memory_space<vmem>> -> memref<1x64x512xi32, #tpu.memory_space<vmem>>
    %dma_start3A_70 = tpu.memref_squeeze %dma_start3A_69 : memref<1x64x512xi32, #tpu.memory_space<vmem>> -> memref<64x512xi32, #tpu.memory_space<vmem>>
    %dma_start3A_71 = arith.constant 0 : i32
    %dma_start3A_72 = tpu.memref_slice %arg4[%add3A_65, %dma_start3A_71] : memref<16384x512xi32, #tpu.memory_space<hbm>> -> memref<64x512xi32, #tpu.memory_space<hbm>>
    %dma_start3A_73 = arith.constant 0 : i32
    %dma_start3A_74 = tpu.memref_slice %arg4[%add3A_65, %dma_start3A_73] : memref<16384x512xi32, #tpu.memory_space<hbm>> -> memref<64x512xi32, #tpu.memory_space<hbm>>
    %dma_start3A_75 = arith.constant 0 : i32
    %dma_start3A_76 = arith.constant 0 : i32
    %dma_start3A_77 = tpu.memref_slice %arg7[%dma_start3A_66, %dma_start3A_75, %dma_start3A_76] : memref<2x64x512xi32, #tpu.memory_space<vmem>> -> memref<1x64x512xi32, #tpu.memory_space<vmem>>
    %dma_start3A_78 = tpu.memref_squeeze %dma_start3A_77 : memref<1x64x512xi32, #tpu.memory_space<vmem>> -> memref<64x512xi32, #tpu.memory_space<vmem>>
    tpu.enqueue_dma source(%dma_start3A_78 : memref<64x512xi32, #tpu.memory_space<vmem>>) target(%dma_start3A_74 : memref<64x512xi32, #tpu.memory_space<hbm>>) target_semaphore(%arg10 : memref<!tpu.dma_semaphore, #tpu.memory_space<semaphore_mem>>)
    %add3A_79 = arith.constant 0 : i32
    %add3A_80 = arith.addi %add3A_79, %mul3A_2 : i32
    %add3A_81 = arith.constant 0 : i32
    %add3A_82 = arith.addi %add3A_80, %add3A_81 : i32
    %dma_wait3A_83 = arith.constant 0 : i32
    %dma_wait3A_84 = arith.constant 0 : i32
    %dma_wait3A_85 = arith.constant 0 : i32
    %dma_wait3A_86 = tpu.memref_slice %arg7[%dma_wait3A_83, %dma_wait3A_84, %dma_wait3A_85] : memref<2x64x512xi32, #tpu.memory_space<vmem>> -> memref<1x64x512xi32, #tpu.memory_space<vmem>>
    %dma_wait3A_87 = tpu.memref_squeeze %dma_wait3A_86 : memref<1x64x512xi32, #tpu.memory_space<vmem>> -> memref<64x512xi32, #tpu.memory_space<vmem>>
    %dma_wait3A_88 = arith.constant 0 : i32
    %dma_wait3A_89 = tpu.memref_slice %arg4[%add3A_82, %dma_wait3A_88] : memref<16384x512xi32, #tpu.memory_space<hbm>> -> memref<64x512xi32, #tpu.memory_space<hbm>>
    %dma_wait3A_90 = arith.constant 0 : i32
    %dma_wait3A_91 = tpu.memref_slice %arg4[%add3A_82, %dma_wait3A_90] : memref<16384x512xi32, #tpu.memory_space<hbm>> -> memref<64x512xi32, #tpu.memory_space<hbm>>
    %dma_wait3A_92 = arith.constant 0 : i32
    %dma_wait3A_93 = arith.constant 0 : i32
    %dma_wait3A_94 = tpu.memref_slice %arg7[%dma_wait3A_83, %dma_wait3A_92, %dma_wait3A_93] : memref<2x64x512xi32, #tpu.memory_space<vmem>> -> memref<1x64x512xi32, #tpu.memory_space<vmem>>
    %dma_wait3A_95 = tpu.memref_squeeze %dma_wait3A_94 : memref<1x64x512xi32, #tpu.memory_space<vmem>> -> memref<64x512xi32, #tpu.memory_space<vmem>>
    tpu.wait_dma2 semaphore(%arg9 : memref<!tpu.dma_semaphore, #tpu.memory_space<semaphore_mem>>) src(%dma_wait3A_95 : memref<64x512xi32, #tpu.memory_space<vmem>>) dst(%dma_wait3A_91 : memref<64x512xi32, #tpu.memory_space<hbm>>)
    %add3A_96 = arith.constant 0 : i32
    %add3A_97 = arith.addi %add3A_96, %mul3A_2 : i32
    %add3A_98 = arith.constant 64 : i32
    %add3A_99 = arith.addi %add3A_97, %add3A_98 : i32
    %dma_wait3A_100 = arith.constant 1 : i32
    %dma_wait3A_101 = arith.constant 0 : i32
    %dma_wait3A_102 = arith.constant 0 : i32
    %dma_wait3A_103 = tpu.memref_slice %arg7[%dma_wait3A_100, %dma_wait3A_101, %dma_wait3A_102] : memref<2x64x512xi32, #tpu.memory_space<vmem>> -> memref<1x64x512xi32, #tpu.memory_space<vmem>>
    %dma_wait3A_104 = tpu.memref_squeeze %dma_wait3A_103 : memref<1x64x512xi32, #tpu.memory_space<vmem>> -> memref<64x512xi32, #tpu.memory_space<vmem>>
    %dma_wait3A_105 = arith.constant 0 : i32
    %dma_wait3A_106 = tpu.memref_slice %arg4[%add3A_99, %dma_wait3A_105] : memref<16384x512xi32, #tpu.memory_space<hbm>> -> memref<64x512xi32, #tpu.memory_space<hbm>>
    %dma_wait3A_107 = arith.constant 0 : i32
    %dma_wait3A_108 = tpu.memref_slice %arg4[%add3A_99, %dma_wait3A_107] : memref<16384x512xi32, #tpu.memory_space<hbm>> -> memref<64x512xi32, #tpu.memory_space<hbm>>
    %dma_wait3A_109 = arith.constant 0 : i32
    %dma_wait3A_110 = arith.constant 0 : i32
    %dma_wait3A_111 = tpu.memref_slice %arg7[%dma_wait3A_100, %dma_wait3A_109, %dma_wait3A_110] : memref<2x64x512xi32, #tpu.memory_space<vmem>> -> memref<1x64x512xi32, #tpu.memory_space<vmem>>
    %dma_wait3A_112 = tpu.memref_squeeze %dma_wait3A_111 : memref<1x64x512xi32, #tpu.memory_space<vmem>> -> memref<64x512xi32, #tpu.memory_space<vmem>>
    tpu.wait_dma2 semaphore(%arg10 : memref<!tpu.dma_semaphore, #tpu.memory_space<semaphore_mem>>) src(%dma_wait3A_112 : memref<64x512xi32, #tpu.memory_space<vmem>>) dst(%dma_wait3A_108 : memref<64x512xi32, #tpu.memory_space<hbm>>)
    return
  }
}

#map = affine_map<(d0, d1) -> (0, 0)>
#map1 = affine_map<(d0, d1) -> (0)>
module attributes {stable_mosaic.version = 14 : i64} {
  func.func @new_body(%arg0: i32, %arg1: i32, %arg2: memref<512x512xi32, #tpu.memory_space<hbm>>, %arg3: memref<4096xi32, #tpu.memory_space<hbm>>, %arg4: memref<16384x512xi32, #tpu.memory_space<hbm>>, %arg5: memref<16384x512xi32, #tpu.memory_space<hbm>>, %arg6: memref<128xi32, #tpu.memory_space<vmem>>, %arg7: memref<2x64x512xi32, #tpu.memory_space<vmem>>, %arg8: memref<!tpu.dma_semaphore, #tpu.memory_space<semaphore_mem>>, %arg9: memref<!tpu.dma_semaphore, #tpu.memory_space<semaphore_mem>>, %arg10: memref<!tpu.dma_semaphore, #tpu.memory_space<semaphore_mem>>) attributes {dimension_semantics = [#tpu.dimension_semantics<core_parallel>, #tpu.dimension_semantics<subcore_parallel>], iteration_bounds = array<i64: 2, 16>, scalar_prefetch = 0 : i64, scratch_operands = 5 : i64, tpu.core_type = #tpu.core_type<sc_vector_subcore>, window_params = [{transform_indices = #map}, {transform_indices = #map1}, {transform_indices = #map}, {transform_indices = #map}]} {
    %mul3A = arith.constant 2 : i32
    %mul3A_0 = arith.muli %arg1, %mul3A : i32
    %add3A = arith.addi %mul3A_0, %arg0 : i32
    %mul3A_1 = arith.constant 128 : i32
    %mul3A_2 = arith.muli %add3A, %mul3A_1 : i32
    %dma_start3A = tpu.memref_slice %arg3[%mul3A_2] : memref<4096xi32, #tpu.memory_space<hbm>> -> memref<128xi32, #tpu.memory_space<hbm>>
    %dma_start3A_3 = tpu.memref_slice %arg3[%mul3A_2] : memref<4096xi32, #tpu.memory_space<hbm>> -> memref<128xi32, #tpu.memory_space<hbm>>
    tpu.enqueue_dma source(%dma_start3A_3 : memref<128xi32, #tpu.memory_space<hbm>>) target(%arg6 : memref<128xi32, #tpu.memory_space<vmem>>) target_semaphore(%arg8 : memref<!tpu.dma_semaphore, #tpu.memory_space<semaphore_mem>>)
    %dma_wait3A = tpu.memref_slice %arg3[%mul3A_2] : memref<4096xi32, #tpu.memory_space<hbm>> -> memref<128xi32, #tpu.memory_space<hbm>>
    %dma_wait3A_4 = tpu.memref_slice %arg3[%mul3A_2] : memref<4096xi32, #tpu.memory_space<hbm>> -> memref<128xi32, #tpu.memory_space<hbm>>
    tpu.wait_dma2 semaphore(%arg8 : memref<!tpu.dma_semaphore, #tpu.memory_space<semaphore_mem>>) src(%dma_wait3A_4 : memref<128xi32, #tpu.memory_space<hbm>>) dst(%arg6 : memref<128xi32, #tpu.memory_space<vmem>>)
    %dma_start3A_5 = arith.constant 0 : i32
    %dma_start3A_6 = arith.constant 0 : i32
    %dma_start3A_7 = arith.constant 0 : i32
    %dma_start3A_8 = tpu.memref_slice %arg7[%dma_start3A_5, %dma_start3A_6, %dma_start3A_7] : memref<2x64x512xi32, #tpu.memory_space<vmem>> -> memref<1x64x512xi32, #tpu.memory_space<vmem>>
    %dma_start3A_9 = tpu.memref_squeeze %dma_start3A_8 : memref<1x64x512xi32, #tpu.memory_space<vmem>> -> memref<64x512xi32, #tpu.memory_space<vmem>>
    %dma_start3A_10 = arith.constant 0 : i32
    %dma_start3A_11 = tpu.memref_slice %arg6[%dma_start3A_10] : memref<128xi32, #tpu.memory_space<vmem>> -> memref<64xi32, #tpu.memory_space<vmem>>
    %dma_start3A_12 = arith.constant 0 : i32
    %dma_start3A_13 = arith.constant 0 : i32
    %dma_start3A_14 = tpu.memref_slice %arg2[%dma_start3A_12, %dma_start3A_13] : memref<512x512xi32, #tpu.memory_space<hbm>> -> memref<512x512xi32, #tpu.memory_space<hbm>>
    tpu.enqueue_indirect_dma source(%dma_start3A_14 : memref<512x512xi32, #tpu.memory_space<hbm>>) target(%dma_start3A_9 : memref<64x512xi32, #tpu.memory_space<vmem>>) offsets(%dma_start3A_11 : memref<64xi32, #tpu.memory_space<vmem>>) semaphore(%arg8 : memref<!tpu.dma_semaphore, #tpu.memory_space<semaphore_mem>>)
    %dma_wait3A_15 = arith.constant 0 : i32
    %dma_wait3A_16 = arith.constant 0 : i32
    %dma_wait3A_17 = arith.constant 0 : i32
    %dma_wait3A_18 = tpu.memref_slice %arg7[%dma_wait3A_15, %dma_wait3A_16, %dma_wait3A_17] : memref<2x64x512xi32, #tpu.memory_space<vmem>> -> memref<1x64x512xi32, #tpu.memory_space<vmem>>
    %dma_wait3A_19 = tpu.memref_squeeze %dma_wait3A_18 : memref<1x64x512xi32, #tpu.memory_space<vmem>> -> memref<64x512xi32, #tpu.memory_space<vmem>>
    %dma_wait3A_20 = arith.constant 0 : i32
    %dma_wait3A_21 = tpu.memref_slice %arg6[%dma_wait3A_20] : memref<128xi32, #tpu.memory_space<vmem>> -> memref<64xi32, #tpu.memory_space<vmem>>
    %dma_wait3A_22 = arith.constant 0 : i32
    %dma_wait3A_23 = arith.constant 0 : i32
    %dma_wait3A_24 = tpu.memref_slice %arg2[%dma_wait3A_22, %dma_wait3A_23] : memref<512x512xi32, #tpu.memory_space<hbm>> -> memref<512x512xi32, #tpu.memory_space<hbm>>
    tpu.wait_indirect_dma semaphore(%arg8 : memref<!tpu.dma_semaphore, #tpu.memory_space<semaphore_mem>>) src(%dma_wait3A_24 : memref<512x512xi32, #tpu.memory_space<hbm>>) dst(%dma_wait3A_19 : memref<64x512xi32, #tpu.memory_space<vmem>>)
    %add3A_25 = arith.constant 8192 : i32
    %add3A_26 = arith.addi %add3A_25, %mul3A_2 : i32
    %add3A_27 = arith.constant 0 : i32
    %add3A_28 = arith.addi %add3A_26, %add3A_27 : i32
    %dma_start3A_29 = arith.constant 0 : i32
    %dma_start3A_30 = arith.constant 0 : i32
    %dma_start3A_31 = arith.constant 0 : i32
    %dma_start3A_32 = tpu.memref_slice %arg7[%dma_start3A_29, %dma_start3A_30, %dma_start3A_31] : memref<2x64x512xi32, #tpu.memory_space<vmem>> -> memref<1x64x512xi32, #tpu.memory_space<vmem>>
    %dma_start3A_33 = tpu.memref_squeeze %dma_start3A_32 : memref<1x64x512xi32, #tpu.memory_space<vmem>> -> memref<64x512xi32, #tpu.memory_space<vmem>>
    %dma_start3A_34 = arith.constant 0 : i32
    %dma_start3A_35 = tpu.memref_slice %arg4[%add3A_28, %dma_start3A_34] : memref<16384x512xi32, #tpu.memory_space<hbm>> -> memref<64x512xi32, #tpu.memory_space<hbm>>
    %dma_start3A_36 = arith.constant 0 : i32
    %dma_start3A_37 = tpu.memref_slice %arg4[%add3A_28, %dma_start3A_36] : memref<16384x512xi32, #tpu.memory_space<hbm>> -> memref<64x512xi32, #tpu.memory_space<hbm>>
    %dma_start3A_38 = arith.constant 0 : i32
    %dma_start3A_39 = arith.constant 0 : i32
    %dma_start3A_40 = tpu.memref_slice %arg7[%dma_start3A_29, %dma_start3A_38, %dma_start3A_39] : memref<2x64x512xi32, #tpu.memory_space<vmem>> -> memref<1x64x512xi32, #tpu.memory_space<vmem>>
    %dma_start3A_41 = tpu.memref_squeeze %dma_start3A_40 : memref<1x64x512xi32, #tpu.memory_space<vmem>> -> memref<64x512xi32, #tpu.memory_space<vmem>>
    tpu.enqueue_dma source(%dma_start3A_41 : memref<64x512xi32, #tpu.memory_space<vmem>>) target(%dma_start3A_37 : memref<64x512xi32, #tpu.memory_space<hbm>>) target_semaphore(%arg9 : memref<!tpu.dma_semaphore, #tpu.memory_space<semaphore_mem>>)
    %dma_start3A_42 = arith.constant 1 : i32
    %dma_start3A_43 = arith.constant 0 : i32
    %dma_start3A_44 = arith.constant 0 : i32
    %dma_start3A_45 = tpu.memref_slice %arg7[%dma_start3A_42, %dma_start3A_43, %dma_start3A_44] : memref<2x64x512xi32, #tpu.memory_space<vmem>> -> memref<1x64x512xi32, #tpu.memory_space<vmem>>
    %dma_start3A_46 = tpu.memref_squeeze %dma_start3A_45 : memref<1x64x512xi32, #tpu.memory_space<vmem>> -> memref<64x512xi32, #tpu.memory_space<vmem>>
    %dma_start3A_47 = arith.constant 64 : i32
    %dma_start3A_48 = tpu.memref_slice %arg6[%dma_start3A_47] : memref<128xi32, #tpu.memory_space<vmem>> -> memref<64xi32, #tpu.memory_space<vmem>>
    %dma_start3A_49 = arith.constant 0 : i32
    %dma_start3A_50 = arith.constant 0 : i32
    %dma_start3A_51 = tpu.memref_slice %arg2[%dma_start3A_49, %dma_start3A_50] : memref<512x512xi32, #tpu.memory_space<hbm>> -> memref<512x512xi32, #tpu.memory_space<hbm>>
    tpu.enqueue_indirect_dma source(%dma_start3A_51 : memref<512x512xi32, #tpu.memory_space<hbm>>) target(%dma_start3A_46 : memref<64x512xi32, #tpu.memory_space<vmem>>) offsets(%dma_start3A_48 : memref<64xi32, #tpu.memory_space<vmem>>) semaphore(%arg8 : memref<!tpu.dma_semaphore, #tpu.memory_space<semaphore_mem>>)
    %dma_wait3A_52 = arith.constant 1 : i32
    %dma_wait3A_53 = arith.constant 0 : i32
    %dma_wait3A_54 = arith.constant 0 : i32
    %dma_wait3A_55 = tpu.memref_slice %arg7[%dma_wait3A_52, %dma_wait3A_53, %dma_wait3A_54] : memref<2x64x512xi32, #tpu.memory_space<vmem>> -> memref<1x64x512xi32, #tpu.memory_space<vmem>>
    %dma_wait3A_56 = tpu.memref_squeeze %dma_wait3A_55 : memref<1x64x512xi32, #tpu.memory_space<vmem>> -> memref<64x512xi32, #tpu.memory_space<vmem>>
    %dma_wait3A_57 = arith.constant 64 : i32
    %dma_wait3A_58 = tpu.memref_slice %arg6[%dma_wait3A_57] : memref<128xi32, #tpu.memory_space<vmem>> -> memref<64xi32, #tpu.memory_space<vmem>>
    %dma_wait3A_59 = arith.constant 0 : i32
    %dma_wait3A_60 = arith.constant 0 : i32
    %dma_wait3A_61 = tpu.memref_slice %arg2[%dma_wait3A_59, %dma_wait3A_60] : memref<512x512xi32, #tpu.memory_space<hbm>> -> memref<512x512xi32, #tpu.memory_space<hbm>>
    tpu.wait_indirect_dma semaphore(%arg8 : memref<!tpu.dma_semaphore, #tpu.memory_space<semaphore_mem>>) src(%dma_wait3A_61 : memref<512x512xi32, #tpu.memory_space<hbm>>) dst(%dma_wait3A_56 : memref<64x512xi32, #tpu.memory_space<vmem>>)
    %add3A_62 = arith.constant 8192 : i32
    %add3A_63 = arith.addi %add3A_62, %mul3A_2 : i32
    %add3A_64 = arith.constant 64 : i32
    %add3A_65 = arith.addi %add3A_63, %add3A_64 : i32
    %dma_start3A_66 = arith.constant 1 : i32
    %dma_start3A_67 = arith.constant 0 : i32
    %dma_start3A_68 = arith.constant 0 : i32
    %dma_start3A_69 = tpu.memref_slice %arg7[%dma_start3A_66, %dma_start3A_67, %dma_start3A_68] : memref<2x64x512xi32, #tpu.memory_space<vmem>> -> memref<1x64x512xi32, #tpu.memory_space<vmem>>
    %dma_start3A_70 = tpu.memref_squeeze %dma_start3A_69 : memref<1x64x512xi32, #tpu.memory_space<vmem>> -> memref<64x512xi32, #tpu.memory_space<vmem>>
    %dma_start3A_71 = arith.constant 0 : i32
    %dma_start3A_72 = tpu.memref_slice %arg4[%add3A_65, %dma_start3A_71] : memref<16384x512xi32, #tpu.memory_space<hbm>> -> memref<64x512xi32, #tpu.memory_space<hbm>>
    %dma_start3A_73 = arith.constant 0 : i32
    %dma_start3A_74 = tpu.memref_slice %arg4[%add3A_65, %dma_start3A_73] : memref<16384x512xi32, #tpu.memory_space<hbm>> -> memref<64x512xi32, #tpu.memory_space<hbm>>
    %dma_start3A_75 = arith.constant 0 : i32
    %dma_start3A_76 = arith.constant 0 : i32
    %dma_start3A_77 = tpu.memref_slice %arg7[%dma_start3A_66, %dma_start3A_75, %dma_start3A_76] : memref<2x64x512xi32, #tpu.memory_space<vmem>> -> memref<1x64x512xi32, #tpu.memory_space<vmem>>
    %dma_start3A_78 = tpu.memref_squeeze %dma_start3A_77 : memref<1x64x512xi32, #tpu.memory_space<vmem>> -> memref<64x512xi32, #tpu.memory_space<vmem>>
    tpu.enqueue_dma source(%dma_start3A_78 : memref<64x512xi32, #tpu.memory_space<vmem>>) target(%dma_start3A_74 : memref<64x512xi32, #tpu.memory_space<hbm>>) target_semaphore(%arg10 : memref<!tpu.dma_semaphore, #tpu.memory_space<semaphore_mem>>)
    %add3A_79 = arith.constant 8192 : i32
    %add3A_80 = arith.addi %add3A_79, %mul3A_2 : i32
    %add3A_81 = arith.constant 0 : i32
    %add3A_82 = arith.addi %add3A_80, %add3A_81 : i32
    %dma_wait3A_83 = arith.constant 0 : i32
    %dma_wait3A_84 = arith.constant 0 : i32
    %dma_wait3A_85 = arith.constant 0 : i32
    %dma_wait3A_86 = tpu.memref_slice %arg7[%dma_wait3A_83, %dma_wait3A_84, %dma_wait3A_85] : memref<2x64x512xi32, #tpu.memory_space<vmem>> -> memref<1x64x512xi32, #tpu.memory_space<vmem>>
    %dma_wait3A_87 = tpu.memref_squeeze %dma_wait3A_86 : memref<1x64x512xi32, #tpu.memory_space<vmem>> -> memref<64x512xi32, #tpu.memory_space<vmem>>
    %dma_wait3A_88 = arith.constant 0 : i32
    %dma_wait3A_89 = tpu.memref_slice %arg4[%add3A_82, %dma_wait3A_88] : memref<16384x512xi32, #tpu.memory_space<hbm>> -> memref<64x512xi32, #tpu.memory_space<hbm>>
    %dma_wait3A_90 = arith.constant 0 : i32
    %dma_wait3A_91 = tpu.memref_slice %arg4[%add3A_82, %dma_wait3A_90] : memref<16384x512xi32, #tpu.memory_space<hbm>> -> memref<64x512xi32, #tpu.memory_space<hbm>>
    %dma_wait3A_92 = arith.constant 0 : i32
    %dma_wait3A_93 = arith.constant 0 : i32
    %dma_wait3A_94 = tpu.memref_slice %arg7[%dma_wait3A_83, %dma_wait3A_92, %dma_wait3A_93] : memref<2x64x512xi32, #tpu.memory_space<vmem>> -> memref<1x64x512xi32, #tpu.memory_space<vmem>>
    %dma_wait3A_95 = tpu.memref_squeeze %dma_wait3A_94 : memref<1x64x512xi32, #tpu.memory_space<vmem>> -> memref<64x512xi32, #tpu.memory_space<vmem>>
    tpu.wait_dma2 semaphore(%arg9 : memref<!tpu.dma_semaphore, #tpu.memory_space<semaphore_mem>>) src(%dma_wait3A_95 : memref<64x512xi32, #tpu.memory_space<vmem>>) dst(%dma_wait3A_91 : memref<64x512xi32, #tpu.memory_space<hbm>>)
    %add3A_96 = arith.constant 8192 : i32
    %add3A_97 = arith.addi %add3A_96, %mul3A_2 : i32
    %add3A_98 = arith.constant 64 : i32
    %add3A_99 = arith.addi %add3A_97, %add3A_98 : i32
    %dma_wait3A_100 = arith.constant 1 : i32
    %dma_wait3A_101 = arith.constant 0 : i32
    %dma_wait3A_102 = arith.constant 0 : i32
    %dma_wait3A_103 = tpu.memref_slice %arg7[%dma_wait3A_100, %dma_wait3A_101, %dma_wait3A_102] : memref<2x64x512xi32, #tpu.memory_space<vmem>> -> memref<1x64x512xi32, #tpu.memory_space<vmem>>
    %dma_wait3A_104 = tpu.memref_squeeze %dma_wait3A_103 : memref<1x64x512xi32, #tpu.memory_space<vmem>> -> memref<64x512xi32, #tpu.memory_space<vmem>>
    %dma_wait3A_105 = arith.constant 0 : i32
    %dma_wait3A_106 = tpu.memref_slice %arg4[%add3A_99, %dma_wait3A_105] : memref<16384x512xi32, #tpu.memory_space<hbm>> -> memref<64x512xi32, #tpu.memory_space<hbm>>
    %dma_wait3A_107 = arith.constant 0 : i32
    %dma_wait3A_108 = tpu.memref_slice %arg4[%add3A_99, %dma_wait3A_107] : memref<16384x512xi32, #tpu.memory_space<hbm>> -> memref<64x512xi32, #tpu.memory_space<hbm>>
    %dma_wait3A_109 = arith.constant 0 : i32
    %dma_wait3A_110 = arith.constant 0 : i32
    %dma_wait3A_111 = tpu.memref_slice %arg7[%dma_wait3A_100, %dma_wait3A_109, %dma_wait3A_110] : memref<2x64x512xi32, #tpu.memory_space<vmem>> -> memref<1x64x512xi32, #tpu.memory_space<vmem>>
    %dma_wait3A_112 = tpu.memref_squeeze %dma_wait3A_111 : memref<1x64x512xi32, #tpu.memory_space<vmem>> -> memref<64x512xi32, #tpu.memory_space<vmem>>
    tpu.wait_dma2 semaphore(%arg10 : memref<!tpu.dma_semaphore, #tpu.memory_space<semaphore_mem>>) src(%dma_wait3A_112 : memref<64x512xi32, #tpu.memory_space<vmem>>) dst(%dma_wait3A_108 : memref<64x512xi32, #tpu.memory_space<hbm>>)
    return
  }
}

module attributes {stable_mosaic.version = 14 : i64} {
  func.func @_winner_body(%arg0: i32, %arg1: memref<1024x512xf32, #tpu.memory_space<vmem>>, %arg2: memref<512x512xf32, #tpu.memory_space<vmem>>, %arg3: memref<1024xi32, #tpu.memory_space<vmem>>) attributes {dimension_semantics = [#tpu.dimension_semantics<arbitrary>], iteration_bounds = array<i64: 4>, scalar_prefetch = 0 : i64, scratch_operands = 0 : i64, tpu.core_type = #tpu.core_type<tc>, window_params = [{transform_indices = @transform_0, window_bounds = array<i64: 1024, 512>}, {pipeline_mode = #tpu.pipeline_mode<synchronous>, transform_indices = @transform_1, window_bounds = array<i64: 512, 512>}, {transform_indices = @transform_2, window_bounds = array<i64: 1024>}]} {
    %get3A = arith.constant 0 : index
    %get3A_0 = arith.constant 0 : index
    %get3A_1 = vector.load %arg1[%get3A, %get3A_0] : memref<1024x512xf32, #tpu.memory_space<vmem>>, vector<1024x512xf32>
    %get3A_2 = arith.constant 0 : index
    %get3A_3 = arith.constant 0 : index
    %get3A_4 = vector.load %arg2[%get3A_2, %get3A_3] : memref<512x512xf32, #tpu.memory_space<vmem>>, vector<512x512xf32>
    %dot_general3A = arith.constant dense<0.000000e+00> : vector<1024x512xf32>
    %dot_general3A_5 = tpu.matmul %get3A_1, %get3A_4, %dot_general3A {dimension_numbers = #tpu.dot_dimension_numbers<[1], [1], [0], [0], [0, 0, 1, 0], [], []>, transpose_lhs_hint = false} : vector<1024x512xf32>, vector<512x512xf32>, vector<1024x512xf32> -> vector<1024x512xf32>
    %mul3A = arith.mulf %get3A_1, %get3A_1 : vector<1024x512xf32>
    %reduce_sum3A = arith.constant dense<0.000000e+00> : vector<1024xf32>
    %reduce_sum3A_6 = vector.multi_reduction <add>, %mul3A, %reduce_sum3A [1] : vector<1024x512xf32> to vector<1024xf32>
    %broadcast_in_dim3A = vector.shape_cast %reduce_sum3A_6 : vector<1024xf32> to vector<1024x1xf32>
    %mul3A_7 = arith.mulf %get3A_4, %get3A_4 : vector<512x512xf32>
    %reduce_sum3A_8 = arith.constant dense<0.000000e+00> : vector<512xf32>
    %reduce_sum3A_9 = vector.multi_reduction <add>, %mul3A_7, %reduce_sum3A_8 [1] : vector<512x512xf32> to vector<512xf32>
    %broadcast_in_dim3A_10 = vector.shape_cast %reduce_sum3A_9 : vector<512xf32> to vector<1x512xf32>
    %add3A = vector.broadcast %broadcast_in_dim3A : vector<1024x1xf32> to vector<1024x512xf32>
    %add3A_11 = vector.broadcast %broadcast_in_dim3A_10 : vector<1x512xf32> to vector<1024x512xf32>
    %add3A_12 = arith.addf %add3A, %add3A_11 : vector<1024x512xf32>
    %mul3A_13 = arith.constant 2.000000e+00 : f32
    %mul3A_14 = vector.broadcast %mul3A_13 : f32 to vector<1024x512xf32>
    %mul3A_15 = arith.mulf %mul3A_14, %dot_general3A_5 : vector<1024x512xf32>
    %sub3A = arith.subf %add3A_12, %mul3A_15 : vector<1024x512xf32>
    %max3A = arith.constant 9.99999996E-13 : f32
    %max3A_16 = vector.broadcast %max3A : f32 to vector<1024x512xf32>
    %max3A_17 = arith.maximumf %sub3A, %max3A_16 : vector<1024x512xf32>
    %argmin3A = tpu.reduce_index %max3A_17 {axis = 1 : i32, kind = #tpu.reduction_kind<arg_min>} : vector<1024x512xf32> -> vector<1024xi32>
    %swap3A = arith.constant 0 : index
    %swap3A_18 = vector.load %arg3[%swap3A] : memref<1024xi32, #tpu.memory_space<vmem>>, vector<1024xi32>
    tpu.vector_store %arg3[%swap3A], %argmin3A {strides = array<i32>} : memref<1024xi32, #tpu.memory_space<vmem>>, vector<1024xi32>,
    return
  }
  func.func @transform_0(%arg0: i32) -> (i32, i32) {
    %add3A = arith.constant 8 : i32
    %add3A_0 = arith.addi %arg0, %add3A : i32
    %c0_i32 = arith.constant 0 : i32
    %c0_i32_1 = arith.constant 0 : i32
    return %add3A_0, %c0_i32 : i32, i32
  }
  func.func @transform_1(%arg0: i32) -> (i32, i32) {
    %c0_i32 = arith.constant 0 : i32
    %c0_i32_0 = arith.constant 0 : i32
    %c0_i32_1 = arith.constant 0 : i32
    return %c0_i32, %c0_i32_0 : i32, i32
  }
  func.func @transform_2(%arg0: i32) -> i32 {
    %c0_i32 = arith.constant 0 : i32
    return %arg0 : i32
  }
}

module attributes {stable_mosaic.version = 14 : i64} {
  func.func @_winner_body(%arg0: i32, %arg1: memref<1024x512xf32, #tpu.memory_space<vmem>>, %arg2: memref<512x512xf32, #tpu.memory_space<vmem>>, %arg3: memref<1024xi32, #tpu.memory_space<vmem>>) attributes {dimension_semantics = [#tpu.dimension_semantics<arbitrary>], iteration_bounds = array<i64: 4>, scalar_prefetch = 0 : i64, scratch_operands = 0 : i64, tpu.core_type = #tpu.core_type<tc>, window_params = [{transform_indices = @transform_0, window_bounds = array<i64: 1024, 512>}, {pipeline_mode = #tpu.pipeline_mode<synchronous>, transform_indices = @transform_1, window_bounds = array<i64: 512, 512>}, {transform_indices = @transform_2, window_bounds = array<i64: 1024>}]} {
    %get3A = arith.constant 0 : index
    %get3A_0 = arith.constant 0 : index
    %get3A_1 = vector.load %arg1[%get3A, %get3A_0] : memref<1024x512xf32, #tpu.memory_space<vmem>>, vector<1024x512xf32>
    %get3A_2 = arith.constant 0 : index
    %get3A_3 = arith.constant 0 : index
    %get3A_4 = vector.load %arg2[%get3A_2, %get3A_3] : memref<512x512xf32, #tpu.memory_space<vmem>>, vector<512x512xf32>
    %dot_general3A = arith.constant dense<0.000000e+00> : vector<1024x512xf32>
    %dot_general3A_5 = tpu.matmul %get3A_1, %get3A_4, %dot_general3A {dimension_numbers = #tpu.dot_dimension_numbers<[1], [1], [0], [0], [0, 0, 1, 0], [], []>, transpose_lhs_hint = false} : vector<1024x512xf32>, vector<512x512xf32>, vector<1024x512xf32> -> vector<1024x512xf32>
    %mul3A = arith.mulf %get3A_1, %get3A_1 : vector<1024x512xf32>
    %reduce_sum3A = arith.constant dense<0.000000e+00> : vector<1024xf32>
    %reduce_sum3A_6 = vector.multi_reduction <add>, %mul3A, %reduce_sum3A [1] : vector<1024x512xf32> to vector<1024xf32>
    %broadcast_in_dim3A = vector.shape_cast %reduce_sum3A_6 : vector<1024xf32> to vector<1024x1xf32>
    %mul3A_7 = arith.mulf %get3A_4, %get3A_4 : vector<512x512xf32>
    %reduce_sum3A_8 = arith.constant dense<0.000000e+00> : vector<512xf32>
    %reduce_sum3A_9 = vector.multi_reduction <add>, %mul3A_7, %reduce_sum3A_8 [1] : vector<512x512xf32> to vector<512xf32>
    %broadcast_in_dim3A_10 = vector.shape_cast %reduce_sum3A_9 : vector<512xf32> to vector<1x512xf32>
    %add3A = vector.broadcast %broadcast_in_dim3A : vector<1024x1xf32> to vector<1024x512xf32>
    %add3A_11 = vector.broadcast %broadcast_in_dim3A_10 : vector<1x512xf32> to vector<1024x512xf32>
    %add3A_12 = arith.addf %add3A, %add3A_11 : vector<1024x512xf32>
    %mul3A_13 = arith.constant 2.000000e+00 : f32
    %mul3A_14 = vector.broadcast %mul3A_13 : f32 to vector<1024x512xf32>
    %mul3A_15 = arith.mulf %mul3A_14, %dot_general3A_5 : vector<1024x512xf32>
    %sub3A = arith.subf %add3A_12, %mul3A_15 : vector<1024x512xf32>
    %max3A = arith.constant 9.99999996E-13 : f32
    %max3A_16 = vector.broadcast %max3A : f32 to vector<1024x512xf32>
    %max3A_17 = arith.maximumf %sub3A, %max3A_16 : vector<1024x512xf32>
    %argmin3A = tpu.reduce_index %max3A_17 {axis = 1 : i32, kind = #tpu.reduction_kind<arg_min>} : vector<1024x512xf32> -> vector<1024xi32>
    %swap3A = arith.constant 0 : index
    %swap3A_18 = vector.load %arg3[%swap3A] : memref<1024xi32, #tpu.memory_space<vmem>>, vector<1024xi32>
    tpu.vector_store %arg3[%swap3A], %argmin3A {strides = array<i32>} : memref<1024xi32, #tpu.memory_space<vmem>>, vector<1024xi32>,
    return
  }
  func.func @transform_0(%arg0: i32) -> (i32, i32) {
    %add3A = arith.constant 4 : i32
    %add3A_0 = arith.addi %arg0, %add3A : i32
    %c0_i32 = arith.constant 0 : i32
    %c0_i32_1 = arith.constant 0 : i32
    return %add3A_0, %c0_i32 : i32, i32
  }
  func.func @transform_1(%arg0: i32) -> (i32, i32) {
    %c0_i32 = arith.constant 0 : i32
    %c0_i32_0 = arith.constant 0 : i32
    %c0_i32_1 = arith.constant 0 : i32
    return %c0_i32, %c0_i32_0 : i32, i32
  }
  func.func @transform_2(%arg0: i32) -> i32 {
    %c0_i32 = arith.constant 0 : i32
    return %arg0 : i32
  }
}

module attributes {stable_mosaic.version = 14 : i64} {
  func.func @_winner_body(%arg0: i32, %arg1: memref<1024x512xf32, #tpu.memory_space<vmem>>, %arg2: memref<512x512xf32, #tpu.memory_space<vmem>>, %arg3: memref<1024xi32, #tpu.memory_space<vmem>>) attributes {dimension_semantics = [#tpu.dimension_semantics<arbitrary>], iteration_bounds = array<i64: 4>, scalar_prefetch = 0 : i64, scratch_operands = 0 : i64, tpu.core_type = #tpu.core_type<tc>, window_params = [{transform_indices = @transform_0, window_bounds = array<i64: 1024, 512>}, {pipeline_mode = #tpu.pipeline_mode<synchronous>, transform_indices = @transform_1, window_bounds = array<i64: 512, 512>}, {transform_indices = @transform_2, window_bounds = array<i64: 1024>}]} {
    %get3A = arith.constant 0 : index
    %get3A_0 = arith.constant 0 : index
    %get3A_1 = vector.load %arg1[%get3A, %get3A_0] : memref<1024x512xf32, #tpu.memory_space<vmem>>, vector<1024x512xf32>
    %get3A_2 = arith.constant 0 : index
    %get3A_3 = arith.constant 0 : index
    %get3A_4 = vector.load %arg2[%get3A_2, %get3A_3] : memref<512x512xf32, #tpu.memory_space<vmem>>, vector<512x512xf32>
    %dot_general3A = arith.constant dense<0.000000e+00> : vector<1024x512xf32>
    %dot_general3A_5 = tpu.matmul %get3A_1, %get3A_4, %dot_general3A {dimension_numbers = #tpu.dot_dimension_numbers<[1], [1], [0], [0], [0, 0, 1, 0], [], []>, transpose_lhs_hint = false} : vector<1024x512xf32>, vector<512x512xf32>, vector<1024x512xf32> -> vector<1024x512xf32>
    %mul3A = arith.mulf %get3A_1, %get3A_1 : vector<1024x512xf32>
    %reduce_sum3A = arith.constant dense<0.000000e+00> : vector<1024xf32>
    %reduce_sum3A_6 = vector.multi_reduction <add>, %mul3A, %reduce_sum3A [1] : vector<1024x512xf32> to vector<1024xf32>
    %broadcast_in_dim3A = vector.shape_cast %reduce_sum3A_6 : vector<1024xf32> to vector<1024x1xf32>
    %mul3A_7 = arith.mulf %get3A_4, %get3A_4 : vector<512x512xf32>
    %reduce_sum3A_8 = arith.constant dense<0.000000e+00> : vector<512xf32>
    %reduce_sum3A_9 = vector.multi_reduction <add>, %mul3A_7, %reduce_sum3A_8 [1] : vector<512x512xf32> to vector<512xf32>
    %broadcast_in_dim3A_10 = vector.shape_cast %reduce_sum3A_9 : vector<512xf32> to vector<1x512xf32>
    %add3A = vector.broadcast %broadcast_in_dim3A : vector<1024x1xf32> to vector<1024x512xf32>
    %add3A_11 = vector.broadcast %broadcast_in_dim3A_10 : vector<1x512xf32> to vector<1024x512xf32>
    %add3A_12 = arith.addf %add3A, %add3A_11 : vector<1024x512xf32>
    %mul3A_13 = arith.constant 2.000000e+00 : f32
    %mul3A_14 = vector.broadcast %mul3A_13 : f32 to vector<1024x512xf32>
    %mul3A_15 = arith.mulf %mul3A_14, %dot_general3A_5 : vector<1024x512xf32>
    %sub3A = arith.subf %add3A_12, %mul3A_15 : vector<1024x512xf32>
    %max3A = arith.constant 9.99999996E-13 : f32
    %max3A_16 = vector.broadcast %max3A : f32 to vector<1024x512xf32>
    %max3A_17 = arith.maximumf %sub3A, %max3A_16 : vector<1024x512xf32>
    %argmin3A = tpu.reduce_index %max3A_17 {axis = 1 : i32, kind = #tpu.reduction_kind<arg_min>} : vector<1024x512xf32> -> vector<1024xi32>
    %swap3A = arith.constant 0 : index
    %swap3A_18 = vector.load %arg3[%swap3A] : memref<1024xi32, #tpu.memory_space<vmem>>, vector<1024xi32>
    tpu.vector_store %arg3[%swap3A], %argmin3A {strides = array<i32>} : memref<1024xi32, #tpu.memory_space<vmem>>, vector<1024xi32>,
    return
  }
  func.func @transform_0(%arg0: i32) -> (i32, i32) {
    %add3A = arith.constant 0 : i32
    %add3A_0 = arith.addi %arg0, %add3A : i32
    %c0_i32 = arith.constant 0 : i32
    %c0_i32_1 = arith.constant 0 : i32
    return %add3A_0, %c0_i32 : i32, i32
  }
  func.func @transform_1(%arg0: i32) -> (i32, i32) {
    %c0_i32 = arith.constant 0 : i32
    %c0_i32_0 = arith.constant 0 : i32
    %c0_i32_1 = arith.constant 0 : i32
    return %c0_i32, %c0_i32_0 : i32, i32
  }
  func.func @transform_2(%arg0: i32) -> i32 {
    %c0_i32 = arith.constant 0 : i32
    return %arg0 : i32
  }
}

module attributes {stable_mosaic.version = 14 : i64} {
  func.func @_winner_body(%arg0: i32, %arg1: memref<1024x512xf32, #tpu.memory_space<vmem>>, %arg2: memref<512x512xf32, #tpu.memory_space<vmem>>, %arg3: memref<1024xi32, #tpu.memory_space<vmem>>) attributes {dimension_semantics = [#tpu.dimension_semantics<arbitrary>], iteration_bounds = array<i64: 4>, scalar_prefetch = 0 : i64, scratch_operands = 0 : i64, tpu.core_type = #tpu.core_type<tc>, window_params = [{transform_indices = @transform_0, window_bounds = array<i64: 1024, 512>}, {pipeline_mode = #tpu.pipeline_mode<synchronous>, transform_indices = @transform_1, window_bounds = array<i64: 512, 512>}, {transform_indices = @transform_2, window_bounds = array<i64: 1024>}]} {
    %get3A = arith.constant 0 : index
    %get3A_0 = arith.constant 0 : index
    %get3A_1 = vector.load %arg1[%get3A, %get3A_0] : memref<1024x512xf32, #tpu.memory_space<vmem>>, vector<1024x512xf32>
    %get3A_2 = arith.constant 0 : index
    %get3A_3 = arith.constant 0 : index
    %get3A_4 = vector.load %arg2[%get3A_2, %get3A_3] : memref<512x512xf32, #tpu.memory_space<vmem>>, vector<512x512xf32>
    %dot_general3A = arith.constant dense<0.000000e+00> : vector<1024x512xf32>
    %dot_general3A_5 = tpu.matmul %get3A_1, %get3A_4, %dot_general3A {dimension_numbers = #tpu.dot_dimension_numbers<[1], [1], [0], [0], [0, 0, 1, 0], [], []>, transpose_lhs_hint = false} : vector<1024x512xf32>, vector<512x512xf32>, vector<1024x512xf32> -> vector<1024x512xf32>
    %mul3A = arith.mulf %get3A_1, %get3A_1 : vector<1024x512xf32>
    %reduce_sum3A = arith.constant dense<0.000000e+00> : vector<1024xf32>
    %reduce_sum3A_6 = vector.multi_reduction <add>, %mul3A, %reduce_sum3A [1] : vector<1024x512xf32> to vector<1024xf32>
    %broadcast_in_dim3A = vector.shape_cast %reduce_sum3A_6 : vector<1024xf32> to vector<1024x1xf32>
    %mul3A_7 = arith.mulf %get3A_4, %get3A_4 : vector<512x512xf32>
    %reduce_sum3A_8 = arith.constant dense<0.000000e+00> : vector<512xf32>
    %reduce_sum3A_9 = vector.multi_reduction <add>, %mul3A_7, %reduce_sum3A_8 [1] : vector<512x512xf32> to vector<512xf32>
    %broadcast_in_dim3A_10 = vector.shape_cast %reduce_sum3A_9 : vector<512xf32> to vector<1x512xf32>
    %add3A = vector.broadcast %broadcast_in_dim3A : vector<1024x1xf32> to vector<1024x512xf32>
    %add3A_11 = vector.broadcast %broadcast_in_dim3A_10 : vector<1x512xf32> to vector<1024x512xf32>
    %add3A_12 = arith.addf %add3A, %add3A_11 : vector<1024x512xf32>
    %mul3A_13 = arith.constant 2.000000e+00 : f32
    %mul3A_14 = vector.broadcast %mul3A_13 : f32 to vector<1024x512xf32>
    %mul3A_15 = arith.mulf %mul3A_14, %dot_general3A_5 : vector<1024x512xf32>
    %sub3A = arith.subf %add3A_12, %mul3A_15 : vector<1024x512xf32>
    %max3A = arith.constant 9.99999996E-13 : f32
    %max3A_16 = vector.broadcast %max3A : f32 to vector<1024x512xf32>
    %max3A_17 = arith.maximumf %sub3A, %max3A_16 : vector<1024x512xf32>
    %argmin3A = tpu.reduce_index %max3A_17 {axis = 1 : i32, kind = #tpu.reduction_kind<arg_min>} : vector<1024x512xf32> -> vector<1024xi32>
    %swap3A = arith.constant 0 : index
    %swap3A_18 = vector.load %arg3[%swap3A] : memref<1024xi32, #tpu.memory_space<vmem>>, vector<1024xi32>
    tpu.vector_store %arg3[%swap3A], %argmin3A {strides = array<i32>} : memref<1024xi32, #tpu.memory_space<vmem>>, vector<1024xi32>,
    return
  }
  func.func @transform_0(%arg0: i32) -> (i32, i32) {
    %add3A = arith.constant 12 : i32
    %add3A_0 = arith.addi %arg0, %add3A : i32
    %c0_i32 = arith.constant 0 : i32
    %c0_i32_1 = arith.constant 0 : i32
    return %add3A_0, %c0_i32 : i32, i32
  }
  func.func @transform_1(%arg0: i32) -> (i32, i32) {
    %c0_i32 = arith.constant 0 : i32
    %c0_i32_0 = arith.constant 0 : i32
    %c0_i32_1 = arith.constant 0 : i32
    return %c0_i32, %c0_i32_0 : i32, i32
  }
  func.func @transform_2(%arg0: i32) -> i32 {
    %c0_i32 = arith.constant 0 : i32
    return %arg0 : i32
  }
}

</mosaic_0001>

<sc_bundles>
// kernel: kernel.10.cloned.1.call-start
scs
__scs_entry_jumppad:
0x0: {  	(pc) =	sbr.rel $0x88, $3  }
0x1: {  	(tag) =	ssettag $0x0;
	lr =	simm.s32 $0x1  }
0x2: {  	[smem:$0x3F9E] =	sst lr;
	_ =	strace $0xD0000000  }
0x3: {  	_ = 	snop  }
0x4: {  	_ = 	snop  }
0x5: {  	_ = 	snop  }
0x6: {  	_ = 	snop  }
0x7: {  	_ = 	snop  }
__scs_overlays_trampoline_lowered:
0x8: {  	[smem:$0x3FAD] =	sst s0  }
0x9: {  	[smem:$0x3FAE] =	sst s1  }
0xa: {  	[smem:$0x3FAF] =	sst s2  }
0xb: {  	[smem:$0x3FB0] =	sst s3  }
0xc: {  	[smem:$0x3FB1] =	sst s4  }
0xd: {  	[smem:$0x3FB2] =	sst s5  }
0xe: {  	[smem:$0x3FB3] =	sst s6  }
0xf: {  	[smem:$0x3FB4] =	sst s7  }
0x10: {  	[smem:$0x3FB5] =	sst s8  }
0x11: {  	[smem:$0x3FB6] =	sst s9;
	s0 =	simm.s32 @!p0 $0x0  }
0x12: {  	s1 =	sld [smem:$0x3F9C];
	s0 =	simm.s32 @p0 $0x1  }
0x13: {  	[smem:$0x3FB7] =	sst s0;
	s0 =	simm.s32 @!p1 $0x0  }
0x14: {  	s2 =	sld [smem:$0x3F9B];
	s0 =	simm.s32 @p1 $0x1  }
0x15: {  	[smem:$0x3FB8] =	sst s0;
	s0 =	simm.s32 @!p2 $0x0  }
0x16: {  	s3 =	sld [smem:$0x3FDB];
	s0 =	simm.s32 @p2 $0x1  }
0x17: {  	s4 =	simm.s32 $0x1BF5;
	[smem:$0x3FBA] =	sst s0  }
0x18: {  	s0 =	sld [smem:$0x3F9D];
	_ =	swait.ge [sflag:s4], $0x0  }
0x19: {  	s7 =	sld [smem:$0x3F9E]  }
0x1a: {  	s8 =	sadd.s32 $0xFFFFE003, lr  }
0x1b: {  	s9 =	sadd.s32 $0xFFFFFEF7, lr;
	s5 =	simm.s32 $0xFFFFFFFF;
	p2 =	slt.u32 s8, $0xFFFFF086  }
0x1c: {  	p1 =	slt.u32 s9, $0xF7A;
	s5 =	simm.s32 @!p2 $0x0  }
0x1d: {  	s5 =	simm.s32 @p1 $0x1;
	p0 =	seq.s32 s7, s2  }
0x1e: {  	s7 =	smul.u32 @!p0 $0xF7A, s2;
	p2 =	seq.s32 @!p0 s5, $0x0  }
0x1f: {  	s9 =	smul.u32 $0xF7A, s1;
	s8 =	simm.s32 @!p0 $0x1BF5;
	p2 =	por !p2, p0  }
0x20: {  	[sflag:s8] =	ssyncset.s32 @!p0 $0xFFFFF086;
	s6 =	sadd.s32 @!p0 s3, s7;
	s7 =	simm.s32 @!p0 $0x108  }
0x21: {  	s3 =	sadd.s32 s3, s9;
	s6 =	sadd.s32 @!p0 $0x88, s6;
	s7 =	simm.s32 @p2 $0x1082  }
0x22: {  	[simem:s7], [sflag:s8] =	dma.local @!p0 [hbm:s6], $0xF7A  }
0x23: {  	s9 =	sor.u32 $0xD0000000, s2;
	s6 =	simm.s32 $0x108;
	_ =	swait.ge @!p0 [sflag:s8], $0x0  }
0x24: {  	s3 =	sadd.s32 $0x88, s3;
	s6 =	simm.s32 @!p1 $0x1082;
	[sflag:s4] =	ssyncset.s32 $0xFFFFF086  }
0x25: {  	[simem:s6], [sflag:s4] =	dma.local [hbm:s3], $0xF7A  }
0x26: {  	[smem:$0x3F9E] =	sst s1;
	(tag) =	ssettag s2;
	_ =	strace s9  }
0x27: {  	s1 =	sld [smem:$0x3FAE]  }
0x28: {  	s2 =	sld [smem:$0x3FAF]  }
0x29: {  	s4 =	sld [smem:$0x3FB1]  }
0x2a: {  	p0 =	seq.s32 s5, $0x0;
	s5 =	sld [smem:$0x3FB2]  }
0x2b: {  	s6 =	sld [smem:$0x3FB3]  }
0x2c: {  	s7 =	sld [smem:$0x3FB4]  }
0x2d: {  	s3 =	simm.s32 $0x108;
	s8 =	sld [smem:$0x3FB5]  }
0x2e: {  	s3 =	simm.s32 @!p0 $0x1082;
	s9 =	sld [smem:$0x3FB6]  }
0x2f: {  	lr =	sadd.s32 s0, s3;
	s0 =	sld [smem:$0x3FAD]  }
0x30: {  	s3 =	sld [smem:$0x3FB0]  }
0x31: {  	[smem:$0x3FB9] =	sst s10  }
0x32: {  	s10 =	sld [smem:$0x3FB7];
	_ =	sdelay $0x3  }
0x33: {  	p0 =	seq.s32 s10, $0x1;
	s10 =	sld [smem:$0x3FB9];
	_ =	sdelay $0x3  }
0x34: {  	[smem:$0x3FB9] =	sst s10  }
0x35: {  	s10 =	sld [smem:$0x3FB8];
	_ =	sdelay $0x3  }
0x36: {  	p1 =	seq.s32 s10, $0x1;
	s10 =	sld [smem:$0x3FB9];
	_ =	sdelay $0x3  }
0x37: {  	[smem:$0x3FB9] =	sst s10  }
0x38: {  	s10 =	sld [smem:$0x3FBA]  }
0x39: {  	_ = 	snop;
	(pc) =	sbr.ind lr, $3  }
0x3a: {  	_ = 	snop  }
0x3b: {  	_ = 	snop  }
0x3c: {  	p2 =	seq.s32 s10, $0x1;
	s10 =	sld [smem:$0x3FB9]  }
0x3d: {  	_ =	shalt  }
0x3e: {  	_ =	shalt  }
0x3f: {  	_ =	shalt  }
0x40: {  	_ =	shalt  }
0x41: {  	_ =	shalt  }
0x42: {  	_ =	shalt  }
0x43: {  	_ =	shalt  }
0x44: {  	_ =	shalt  }
0x45: {  	_ =	shalt  }
0x46: {  	_ =	shalt  }
0x47: {  	_ =	shalt  }
0x48: {  	_ =	shalt  }
0x49: {  	_ =	shalt  }
0x4a: {  	_ =	shalt  }
0x4b: {  	_ =	shalt  }
0x4c: {  	_ =	shalt  }
0x4d: {  	_ =	shalt  }
0x4e: {  	_ =	shalt  }
0x4f: {  	_ =	shalt  }
0x50: {  	_ =	shalt  }
0x51: {  	_ =	shalt  }
0x52: {  	_ =	shalt  }
0x53: {  	_ =	shalt  }
0x54: {  	_ =	shalt  }
0x55: {  	_ =	shalt  }
0x56: {  	_ =	shalt  }
0x57: {  	_ =	shalt  }
0x58: {  	_ =	shalt  }
0x59: {  	_ =	shalt  }
0x5a: {  	_ =	shalt  }
0x5b: {  	_ =	shalt  }
0x5c: {  	_ =	shalt  }
0x5d: {  	_ =	shalt  }
0x5e: {  	_ =	shalt  }
0x5f: {  	_ =	shalt  }
0x60: {  	_ =	shalt  }
0x61: {  	_ =	shalt  }
0x62: {  	_ =	shalt  }
0x63: {  	_ =	shalt  }
0x64: {  	_ =	shalt  }
0x65: {  	_ =	shalt  }
0x66: {  	_ =	shalt  }
0x67: {  	_ =	shalt  }
0x68: {  	_ =	shalt  }
0x69: {  	_ =	shalt  }
0x6a: {  	_ =	shalt  }
0x6b: {  	_ =	shalt  }
0x6c: {  	_ =	shalt  }
0x6d: {  	_ =	shalt  }
0x6e: {  	_ =	shalt  }
0x6f: {  	_ =	shalt  }
0x70: {  	_ =	shalt  }
0x71: {  	_ =	shalt  }
0x72: {  	_ =	shalt  }
0x73: {  	_ =	shalt  }
0x74: {  	_ =	shalt  }
0x75: {  	_ =	shalt  }
0x76: {  	_ =	shalt  }
0x77: {  	_ =	shalt  }
0x78: {  	_ =	shalt  }
0x79: {  	_ =	shalt  }
0x7a: {  	_ =	shalt  }
0x7b: {  	_ =	shalt  }
0x7c: {  	_ =	shalt  }
0x7d: {  	_ =	shalt  }
0x7e: {  	_ =	shalt  }
0x7f: {  	_ =	shalt  }
0x80: {  	_ =	shalt  }
0x81: {  	_ =	shalt  }
0x82: {  	_ =	shalt  }
0x83: {  	_ =	shalt  }
0x84: {  	_ =	shalt  }
0x85: {  	_ =	shalt  }
0x86: {  	_ =	shalt  }
0x87: {  	_ =	shalt  }
.Lfunc_end0:
.L_simem_size_0:
called_computation_lowered:
.L_overlay_start_0:
0x88: {  	s2 =	sld [smem:$0x3FD9]  }
0x89: {  	s3 =	sld [smem:$0x3FFE];
	_ =	sdelay $0x1  }
0x8a: {  	s1 =	srdreg.scid  }
0x8b: {  	s0 =	sand.u32 $0x1, s1  }
0x8c: {  	s17 =	sshll.u32 s0, $0xA;
	s2 =	sadd.s32 s3, s2  }
0x8d: {  	s2 =	sadd.s32 s2, s17  }
0x8e: {  	[smem:$0x3FC5] =	sst s2  }
0x8f: {  	_ = 	snop  }
0x90: {  	s2 =	sld [smem:$0x3FC7]  }
0x91: {  	s18 =	sld [smem:$0x3FD0];
	(tm) =	ssettm $0x1  }
0x92: {  	s4 =	sld [smem:$0x3FFB];
	_ =	sdelay $0x3  }
0x93: {  	_ =	strace s4  }
0x94: {  	s4 =	sld [smem:$0x3FFC];
	_ =	sdelay $0x3  }
0x95: {  	_ =	strace s4  }
0x96: {  	s4 =	sld [smem:$0x3FFD];
	_ =	sdelay $0x3  }
0x97: {  	_ =	strace s4  }
0x98: {  	_ =	strace $0x8FFFFFFF  }
0x99: {  	s19 =	sld [smem:$0x3FDB];
	_ =	sdelay $0x1  }
0x9a: {  	s5 =	simm.s32 $_scs_section_size  }
0x9b: {  	s6 =	simm.s32 $_size__tile_overlayer_lowered;
	s7 =	simm.s32 $_tile_overlayer_lowered  }
0x9c: {  	s22 =	simm.s32 $0x1BFF;
	s21 =	sshll.u32 s7, $0x1;
	s4 =	sadd.s32 s5, s19  }
0x9d: {  	s8 =	simm.s32 $0x0;
	s20 =	sshll.u32 s6, $0x1;
	s6 =	sadd.s32 s21, s4  }
0x9e: {  	[timem:s8], [sflag:s22] =	dma.local [hbm:s6], s20  }
0x9f: {  	_ =	swait.ge [sflag:s22], s20  }
0xa0: {  	s5 =	ssub.s32 $0x0, s20;
	[sflag:s22] =	ssyncset.done $0x0  }
0xa1: {  	[sflag:s22] =	ssyncadd.s32 s5;
	_ =	sdelay $0x1  }
0xa2: {  	s23 =	simm.s32 $0x1B8B  }
0xa3: {  	_ =	swait.ge [sflag:s23], $0x1  }
0xa4: {  	[sflag:s23] =	ssyncset.done $0x0  }
0xa5: {  	s25 =	simm.s32 $0x1B8E;
	s24 =	sld [smem:$0x3FFE];
	[sflag:s23] =	ssyncadd.s32 $0xFFFFFFFF  }
0xa6: {  	s26 =	simm.s32 $execute0_lowered;
	[smem:$0x3FD2] =	sst s25  }
0xa7: {  	s6 =	sshll.u32 s26, $0x1;
	_ =	strace $0x80000046;
	[dreg:$0x1] =	wrdreg $0xFFFFFFFF  }
0xa8: {  	s28 =	simm.s32 $_size_execute0_lowered;
	s4 =	sadd.s32 s4, s6;
	[dreg:$0x0] =	wrdreg $0x0  }
0xa9: {  	s6 =	sshll.u32 s28, $0x1;
	[dreg:$0x2] =	wrdreg s4  }
0xaa: {  	[dreg:$0x3] =	wrdreg s6  }
0xab: {  	[dreg:$0x4] =	wrdreg $0xC0  }
0xac: {  	_ =	task [dreg:s8], $0x5FFFF  }
0xad: {  	[dreg:$0x1] =	wrdreg $0xFFFFFFFF  }
0xae: {  	[dreg:$0x0] =	wrdreg $0x60  }
0xaf: {  	[dreg:$0x2] =	wrdreg s2  }
0xb0: {  	[dreg:$0x3] =	wrdreg s24  }
0xb1: {  	[dreg:$0x4] =	wrdreg s18  }
0xb2: {  	[dreg:$0x5] =	wrdreg $0x9  }
0xb3: {  	_ =	task.clear_ibuf [dreg:s8], $0x6FFFF;
	_ =	strace $0x90000046  }
0xb4: {  	s29 =	simm.s32 $0x9;
	_ =	strace $0x80000048  }
0xb5: {  	_ =	swait.ge [sflag:s29], $0x1  }
0xb6: {  	[sflag:s29] =	ssyncadd.s32 $0xFFFFFFFF  }
0xb7: {  	_ =	strace $0x90000048  }
0xb8: {  	_ =	sfence  }
0xb9: {  	s30 =	sld [smem:$0x0];
	_ =	sdelay $0x2  }
0xba: {  	s31 =	sshll.u32 s1, $0xD;
	s1 =	sshrl.u32 s1, $0x2  }
0xbb: {  	s3 =	sand.u32 $0x4000, s31;
	s1 =	sadd.s32 s1, s30  }
0xbc: {  	s0 =	sor.u32 s3, s0;
	s1 =	sshll.u32 s1, $0x11  }
0xbd: {  	s0 =	sor.u32 s1, s0  }
0xbe: {  	s0 =	sadd.s32 $0x8F2B, s0  }
0xbf: {  	[sflag:s0] =	ssyncadd.remote.s32 $0x1  }
0xc0: {  	_ =	sfence.sel $0xFFFF  }
0xc1: {  	[dreg:$0x0] =	wrdreg $0xFFFFFFFF;
	(pc) =	sbr.abs _section_cstart, $3  }
0xc2: {  	[dreg:$0x1] =	wrdreg $0xFFFFFFFF  }
0xc3: {  	_ =	task.clear_ibuf [dreg:s8], $0x2FFFF;
	_ =	strace $0x9FFFFFFF  }
0xc4: {  	(tm) =	ssettm $0x7FFFFFFF  }
0xc5: {  	_ =	shalt  }
tec
execute0_lowered:
.L_overlay_start_1:
0x0: {  	(tag) =	ssettag $0x1  }
0x1: {  	s1 =	rddreg [dreg:$0x0]  }
0x2: {  	s2 =	srdreg.scid;
	s4 =	rddreg [dreg:$0x1]  }
0x3: {  	s0 =	stileid.u32;
	s6 =	rddreg [dreg:$0x2];
	s16 =	simm.s32 $0x880  }
0x4: {  	s17 =	simm.s32 $0x1080;
	s18 =	simm.s32 $0x1880;
	s19 =	simm.s32 $0x2080  }
0x5: {  	s21 =	simm.s32 $0x2880;
	s22 =	simm.s32 $0x3080;
	s2 =	sand.u32 $0x1, s2  }
0x6: {  	s23 =	simm.s32 $0x3880;
	s3 =	sshll.u32 s0, $0x8;
	s5 =	sshll.u32 s2, $0x7  }
0x7: {  	s24 =	simm.s32 $0x4080;
	s5 =	sor.u32 s5, s3;
	s3 =	simm.s32 $0x0  }
0x8: {  	s25 =	simm.s32 $0x4880;
	s8 =	simm.s32 $0x80;
	[smem:$0x7FF] =	sst s3  }
0x9: {  	s26 =	simm.s32 $0x5080;
	_ =	strace $0x80000047;
	[dreg:$0x6] =	wrdreg s16  }
0xa: {  	s10 =	simm.s32 $0x6080;
	s11 =	simm.s32 $0x6880;
	[dreg:$0x7] =	wrdreg s17  }
0xb: {  	s12 =	simm.s32 $0x7080;
	s13 =	simm.s32 $0x7880;
	[dreg:$0x8] =	wrdreg s18  }
0xc: {  	s14 =	simm.s32 $0x8080;
	s15 =	simm.s32 $0x8880;
	[dreg:$0x9] =	wrdreg s19  }
0xd: {  	s28 =	simm.s32 $0xE880;
	s29 =	simm.s32 $0xF080;
	[dreg:$0xa] =	wrdreg s21  }
0xe: {  	s30 =	simm.s32 $0xF880;
	s2 =	ssub.s32 $0x2, s2;
	[dreg:$0xb] =	wrdreg s22  }
0xf: {  	s31 =	simm.s32 $0x2;
	s20 =	sshrl.u32 s2, $0x1;
	[dreg:$0xc] =	wrdreg s23  }
0x10: {  	s7 =	sshrl.u32 s5, $0x3;
	s5 =	sshll.u32 s5, $0x6;
	[dreg:$0xd] =	wrdreg s24  }
0x11: {  	s2 =	ssub.s32 s2, s20;
	s20 =	simm.s32 $0xB080;
	[dreg:$0xe] =	wrdreg s25  }
0x12: {  	s4 =	sadd.s32 s7, s4;
	[dreg:$0xf] =	wrdreg s26;
	s16 =	simm.s32 $0x9080  }
0x13: {  	s17 =	simm.s32 $0x9880;
	s18 =	simm.s32 $0xA080;
	s19 =	simm.s32 $0xA880  }
0x14: {  	s21 =	simm.s32 $0xB880;
	s22 =	simm.s32 $0xC080;
	s23 =	simm.s32 $0xC880  }
0x15: {  	s24 =	simm.s32 $0xD080;
	s25 =	simm.s32 $0xD880;
	s26 =	simm.s32 $0xE080  }
0x16: {  	v2 =	vlaneseq.u32;
	s7 =	sadd.s32 $0x1A00, s4;
	s4 =	sadd.s32 s6, s5;
	s6 =	smax.u32 s2, $0x1  }
0x17: {  	vm0 =	vmmov $0xffff;
	v1 =	vshrl.u32 v2, $0x3;
	s2 =	simm.s32 $0x3;
	[dreg:$0x4] =	wrdreg s7;
	s5 =	sadd.s32 $0x1000, s4  }
0x18: {  	v0 =	vand.u32 $0x7, v2;
	v2 =	vor.u32 $0x8, v2;
	v1 =	vmul.u32 $0x8, v1;
	s7 =	simm.s32 $0x1;
	[dreg:$0x5] =	wrdreg s5;
	s5 =	sadd.s32 $0x100, s1  }
.LBB2_1:
0x19: {  	s0 =	rddreg [dreg:$0x4]  }
0x1a: {  	[tilespmem:s3], [sflag:$0x1] =	stream.linear.gather [hbm4b:s0+s3], $0x80, $0x38;
	[tilespmem:$0x10080] =	vst v63  }
0x1b: {  	_ =	swait.ge [sflag:s7], $0x80  }
0x1c: {  	[sflag:s7] =	ssyncset.done $0x0  }
0x1d: {  	[sflag:s7] =	ssyncadd.s32 $0xFFFFFF80  }
0x1e: {  	v3 =	vld [tilespmem:$0x0];
	_ =	sdelay $0x4  }
0x1f: {  	v4 =	vshll.u32 v3, $0x2  }
0x20: {  	v3 =	vand.u32 $0x7, v3;
	v4 =	vand.u32 $0xFFFFFFE0, v4  }
0x21: {  	v3 =	vor.u32 v3, v4  }
0x22: {  	v4 =	vperm.xlane v3, v0;
	_ =	sdelay $0x1  }
0x23: {  	v4 =	vadd.s32 v1, v4;
	_ =	sdelay $0x1  }
0x24: {  	v3 =	vperm.xlane v3, v2;
	_ =	sdelay $0x1  }
0x25: {  	v3 =	vadd.s32 v1, v3  }
0x26: {  	[tilespmem:s8], [sflag:$0x1] =	stream.indirect_vreg.gather [hbm4b:s1+s3], $0x80, v4, vm0, $0xb8;
	[tilespmem:$0x10080] =	vst v63  }
0x27: {  	s0 =	rddreg [dreg:$0x6]  }
0x28: {  	[tilespmem:s0], [sflag:$0x1] =	stream.indirect_vreg.gather [hbm4b:s5+s3], $0x80, v4, vm0, $0xb8;
	[tilespmem:$0x10080] =	vst v63  }
0x29: {  	s9 =	rddreg [dreg:$0x7]  }
0x2a: {  	[tilespmem:s9], [sflag:$0x1] =	stream.indirect_vreg.gather [hbm4b:s1+s3], $0x80, v3, vm0, $0xb8;
	[tilespmem:$0x10080] =	vst v63  }
0x2b: {  	s0 =	rddreg [dreg:$0x8]  }
0x2c: {  	[tilespmem:s0], [sflag:$0x1] =	stream.indirect_vreg.gather [hbm4b:s5+s3], $0x80, v3, vm0, $0xb8;
	[tilespmem:$0x10080] =	vst v63  }
0x2d: {  	v3 =	vld [tilespmem:$0x10];
	_ =	sdelay $0x4  }
0x2e: {  	v57 =	vshll.u32 v3, $0x2  }
0x2f: {  	v3 =	vand.u32 $0x7, v3;
	v4 =	vand.u32 $0xFFFFFFE0, v57  }
0x30: {  	v3 =	vor.u32 v3, v4  }
0x31: {  	v4 =	vperm.xlane v3, v0;
	_ =	sdelay $0x1  }
0x32: {  	v4 =	vadd.s32 v1, v4;
	_ =	sdelay $0x1  }
0x33: {  	v3 =	vperm.xlane v3, v2;
	_ =	sdelay $0x1  }
0x34: {  	s0 =	rddreg [dreg:$0x9];
	v3 =	vadd.s32 v1, v3  }
0x35: {  	[tilespmem:s0], [sflag:$0x1] =	stream.indirect_vreg.gather [hbm4b:s1+s3], $0x80, v4, vm0, $0xb8;
	[tilespmem:$0x10080] =	vst v63  }
0x36: {  	s9 =	rddreg [dreg:$0xa]  }
0x37: {  	[tilespmem:s9], [sflag:$0x1] =	stream.indirect_vreg.gather [hbm4b:s5+s3], $0x80, v4, vm0, $0xb8;
	[tilespmem:$0x10080] =	vst v63  }
0x38: {  	s0 =	rddreg [dreg:$0xb]  }
0x39: {  	[tilespmem:s0], [sflag:$0x1] =	stream.indirect_vreg.gather [hbm4b:s1+s3], $0x80, v3, vm0, $0xb8;
	[tilespmem:$0x10080] =	vst v63  }
0x3a: {  	s9 =	rddreg [dreg:$0xc]  }
0x3b: {  	[tilespmem:s9], [sflag:$0x1] =	stream.indirect_vreg.gather [hbm4b:s5+s3], $0x80, v3, vm0, $0xb8;
	[tilespmem:$0x10080] =	vst v63  }
0x3c: {  	v3 =	vld [tilespmem:$0x20];
	_ =	sdelay $0x4  }
0x3d: {  	v58 =	vshll.u32 v3, $0x2  }
0x3e: {  	v3 =	vand.u32 $0x7, v3;
	v4 =	vand.u32 $0xFFFFFFE0, v58  }
0x3f: {  	v3 =	vor.u32 v3, v4  }
0x40: {  	v4 =	vperm.xlane v3, v0;
	_ =	sdelay $0x1  }
0x41: {  	v4 =	vadd.s32 v1, v4;
	_ =	sdelay $0x1  }
0x42: {  	v3 =	vperm.xlane v3, v2;
	_ =	sdelay $0x1  }
0x43: {  	s0 =	rddreg [dreg:$0xd];
	v3 =	vadd.s32 v1, v3  }
0x44: {  	[tilespmem:s0], [sflag:$0x1] =	stream.indirect_vreg.gather [hbm4b:s1+s3], $0x80, v4, vm0, $0xb8;
	[tilespmem:$0x10080] =	vst v63  }
0x45: {  	s9 =	rddreg [dreg:$0xe]  }
0x46: {  	[tilespmem:s9], [sflag:$0x1] =	stream.indirect_vreg.gather [hbm4b:s5+s3], $0x80, v4, vm0, $0xb8;
	[tilespmem:$0x10080] =	vst v63  }
0x47: {  	s0 =	rddreg [dreg:$0xf]  }
0x48: {  	[tilespmem:s0], [sflag:$0x1] =	stream.indirect_vreg.gather [hbm4b:s1+s3], $0x80, v3, vm0, $0xb8;
	[tilespmem:$0x10080] =	vst v63  }
0x49: {  	s9 =	simm.s32 $0x5880  }
0x4a: {  	[tilespmem:s9], [sflag:$0x1] =	stream.indirect_vreg.gather [hbm4b:s5+s3], $0x80, v3, vm0, $0xb8;
	[tilespmem:$0x10080] =	vst v63  }
0x4b: {  	v3 =	vld [tilespmem:$0x30];
	_ =	sdelay $0x4  }
0x4c: {  	v59 =	vshll.u32 v3, $0x2  }
0x4d: {  	v3 =	vand.u32 $0x7, v3;
	v4 =	vand.u32 $0xFFFFFFE0, v59  }
0x4e: {  	v3 =	vor.u32 v3, v4  }
0x4f: {  	v4 =	vperm.xlane v3, v0;
	_ =	sdelay $0x1  }
0x50: {  	v4 =	vadd.s32 v1, v4;
	_ =	sdelay $0x1  }
0x51: {  	v3 =	vperm.xlane v3, v2;
	_ =	sdelay $0x1  }
0x52: {  	v3 =	vadd.s32 v1, v3  }
0x53: {  	[tilespmem:s10], [sflag:$0x1] =	stream.indirect_vreg.gather [hbm4b:s1+s3], $0x80, v4, vm0, $0xb8;
	[tilespmem:$0x10080] =	vst v63  }
0x54: {  	_ = 	snop  }
0x55: {  	[tilespmem:s11], [sflag:$0x1] =	stream.indirect_vreg.gather [hbm4b:s5+s3], $0x80, v4, vm0, $0xb8;
	[tilespmem:$0x10080] =	vst v63  }
0x56: {  	_ = 	snop  }
0x57: {  	[tilespmem:s12], [sflag:$0x1] =	stream.indirect_vreg.gather [hbm4b:s1+s3], $0x80, v3, vm0, $0xb8;
	[tilespmem:$0x10080] =	vst v63  }
0x58: {  	_ = 	snop  }
0x59: {  	[tilespmem:s13], [sflag:$0x1] =	stream.indirect_vreg.gather [hbm4b:s5+s3], $0x80, v3, vm0, $0xb8;
	[tilespmem:$0x10080] =	vst v63  }
0x5a: {  	_ =	swait.ge [sflag:s7], $0x8000  }
0x5b: {  	[sflag:s7] =	ssyncset.done $0x0  }
0x5c: {  	[sflag:s7] =	ssyncadd.s32 $0xFFFF8000  }
0x5d: {  	[hbm4b:s4+s3] =	stream.linear.scatter [tilespmem:s8], [sflag:$0x2], $0x8000, $0x38;
	[tilespmem:$0x10080] =	vst v63  }
0x5e: {  	v3 =	vld [tilespmem:$0x40];
	_ =	sdelay $0x4  }
0x5f: {  	v60 =	vshll.u32 v3, $0x2  }
0x60: {  	v3 =	vand.u32 $0x7, v3;
	v4 =	vand.u32 $0xFFFFFFE0, v60  }
0x61: {  	v3 =	vor.u32 v3, v4  }
0x62: {  	v4 =	vperm.xlane v3, v0;
	_ =	sdelay $0x1  }
0x63: {  	v4 =	vadd.s32 v1, v4;
	_ =	sdelay $0x1  }
0x64: {  	v3 =	vperm.xlane v3, v2;
	_ =	sdelay $0x1  }
0x65: {  	v3 =	vadd.s32 v1, v3  }
0x66: {  	[tilespmem:s14], [sflag:$0x1] =	stream.indirect_vreg.gather [hbm4b:s1+s3], $0x80, v4, vm0, $0xb8;
	[tilespmem:$0x10080] =	vst v63  }
0x67: {  	_ = 	snop  }
0x68: {  	[tilespmem:s15], [sflag:$0x1] =	stream.indirect_vreg.gather [hbm4b:s5+s3], $0x80, v4, vm0, $0xb8;
	[tilespmem:$0x10080] =	vst v63  }
0x69: {  	_ = 	snop  }
0x6a: {  	[tilespmem:s16], [sflag:$0x1] =	stream.indirect_vreg.gather [hbm4b:s1+s3], $0x80, v3, vm0, $0xb8;
	[tilespmem:$0x10080] =	vst v63  }
0x6b: {  	_ = 	snop  }
0x6c: {  	[tilespmem:s17], [sflag:$0x1] =	stream.indirect_vreg.gather [hbm4b:s5+s3], $0x80, v3, vm0, $0xb8;
	[tilespmem:$0x10080] =	vst v63  }
0x6d: {  	v3 =	vld [tilespmem:$0x50];
	_ =	sdelay $0x4  }
0x6e: {  	v61 =	vshll.u32 v3, $0x2  }
0x6f: {  	v3 =	vand.u32 $0x7, v3;
	v4 =	vand.u32 $0xFFFFFFE0, v61  }
0x70: {  	v3 =	vor.u32 v3, v4  }
0x71: {  	v4 =	vperm.xlane v3, v0;
	_ =	sdelay $0x1  }
0x72: {  	v4 =	vadd.s32 v1, v4;
	_ =	sdelay $0x1  }
0x73: {  	v3 =	vperm.xlane v3, v2;
	_ =	sdelay $0x1  }
0x74: {  	v3 =	vadd.s32 v1, v3  }
0x75: {  	[tilespmem:s18], [sflag:$0x1] =	stream.indirect_vreg.gather [hbm4b:s1+s3], $0x80, v4, vm0, $0xb8;
	[tilespmem:$0x10080] =	vst v63  }
0x76: {  	_ = 	snop  }
0x77: {  	[tilespmem:s19], [sflag:$0x1] =	stream.indirect_vreg.gather [hbm4b:s5+s3], $0x80, v4, vm0, $0xb8;
	[tilespmem:$0x10080] =	vst v63  }
0x78: {  	_ = 	snop  }
0x79: {  	[tilespmem:s20], [sflag:$0x1] =	stream.indirect_vreg.gather [hbm4b:s1+s3], $0x80, v3, vm0, $0xb8;
	[tilespmem:$0x10080] =	vst v63  }
0x7a: {  	_ = 	snop  }
0x7b: {  	[tilespmem:s21], [sflag:$0x1] =	stream.indirect_vreg.gather [hbm4b:s5+s3], $0x80, v3, vm0, $0xb8;
	[tilespmem:$0x10080] =	vst v63  }
0x7c: {  	v3 =	vld [tilespmem:$0x60];
	_ =	sdelay $0x4  }
0x7d: {  	v62 =	vshll.u32 v3, $0x2  }
0x7e: {  	v3 =	vand.u32 $0x7, v3;
	v4 =	vand.u32 $0xFFFFFFE0, v62  }
0x7f: {  	v3 =	vor.u32 v3, v4  }
0x80: {  	v4 =	vperm.xlane v3, v0;
	_ =	sdelay $0x1  }
0x81: {  	v4 =	vadd.s32 v1, v4;
	_ =	sdelay $0x1  }
0x82: {  	v3 =	vperm.xlane v3, v2;
	_ =	sdelay $0x1  }
0x83: {  	v3 =	vadd.s32 v1, v3  }
0x84: {  	[tilespmem:s22], [sflag:$0x1] =	stream.indirect_vreg.gather [hbm4b:s1+s3], $0x80, v4, vm0, $0xb8;
	[tilespmem:$0x10080] =	vst v63  }
0x85: {  	_ = 	snop  }
0x86: {  	[tilespmem:s23], [sflag:$0x1] =	stream.indirect_vreg.gather [hbm4b:s5+s3], $0x80, v4, vm0, $0xb8;
	[tilespmem:$0x10080] =	vst v63  }
0x87: {  	_ = 	snop  }
0x88: {  	[tilespmem:s24], [sflag:$0x1] =	stream.indirect_vreg.gather [hbm4b:s1+s3], $0x80, v3, vm0, $0xb8;
	[tilespmem:$0x10080] =	vst v63  }
0x89: {  	_ = 	snop  }
0x8a: {  	[tilespmem:s25], [sflag:$0x1] =	stream.indirect_vreg.gather [hbm4b:s5+s3], $0x80, v3, vm0, $0xb8;
	[tilespmem:$0x10080] =	vst v63  }
0x8b: {  	v3 =	vld [tilespmem:$0x70];
	_ =	sdelay $0x4  }
0x8c: {  	v63 =	vshll.u32 v3, $0x2  }
0x8d: {  	v3 =	vand.u32 $0x7, v3;
	v4 =	vand.u32 $0xFFFFFFE0, v63  }
0x8e: {  	v3 =	vor.u32 v3, v4  }
0x8f: {  	v4 =	vperm.xlane v3, v0;
	_ =	sdelay $0x1  }
0x90: {  	v4 =	vadd.s32 v1, v4;
	_ =	sdelay $0x1  }
0x91: {  	v3 =	vperm.xlane v3, v2;
	_ =	sdelay $0x1  }
0x92: {  	v3 =	vadd.s32 v1, v3  }
0x93: {  	[tilespmem:s26], [sflag:$0x1] =	stream.indirect_vreg.gather [hbm4b:s1+s3], $0x80, v4, vm0, $0xb8;
	[tilespmem:$0x10080] =	vst v63  }
0x94: {  	_ = 	snop  }
0x95: {  	[tilespmem:s28], [sflag:$0x1] =	stream.indirect_vreg.gather [hbm4b:s5+s3], $0x80, v4, vm0, $0xb8;
	[tilespmem:$0x10080] =	vst v63  }
0x96: {  	_ = 	snop  }
0x97: {  	[tilespmem:s29], [sflag:$0x1] =	stream.indirect_vreg.gather [hbm4b:s1+s3], $0x80, v3, vm0, $0xb8;
	[tilespmem:$0x10080] =	vst v63  }
0x98: {  	_ = 	snop  }
0x99: {  	[tilespmem:s30], [sflag:$0x1] =	stream.indirect_vreg.gather [hbm4b:s5+s3], $0x80, v3, vm0, $0xb8;
	[tilespmem:$0x10080] =	vst v63  }
0x9a: {  	_ =	swait.ge [sflag:s7], $0x8000  }
0x9b: {  	[sflag:s7] =	ssyncset.done $0x0  }
0x9c: {  	s9 =	rddreg [dreg:$0x5];
	[sflag:s7] =	ssyncadd.s32 $0xFFFF8000  }
0x9d: {  	[hbm4b:s9+s3] =	stream.linear.scatter [tilespmem:s14], [sflag:$0x3], $0x8000, $0x38;
	[tilespmem:$0x10080] =	vst v63  }
0x9e: {  	p0 =	sne.s32 s6, $0x1;
	_ =	swait.ge [sflag:s31], $0x8000  }
.Ltmp0:
0x9f: {  	[sflag:s31] =	ssyncset.done $0x0;
	(pc) =	sbr.rel @p0 .LBB2_1-.Ltmp0, $4  }
0xa0: {  	[sflag:s31] =	ssyncadd.s32 $0xFFFF8000  }
0xa1: {  	_ =	swait.ge [sflag:s2], $0x8000  }
0xa2: {  	[sflag:s2] =	ssyncset.done $0x0  }
0xa3: {  	s6 =	sadd.s32 $0xFFFFFFFF, s6;
	[sflag:s2] =	ssyncadd.s32 $0xFFFF8000  }
0xa4: {  	_ =	sfence.sel $0x180000  }
0xa5: {  	[bflag:$0x0] =	sbarrier.arrive $0xFFFF  }
0xa6: {  	_ =	strace $0x90000047  }
0xa7: {  	s0 =	stileid.u32;
	[bflag:$0x2] =	sbarrier.arrive $0xFFFF  }
0xa8: {  	p0 =	sne.s32 s0, $0x0;
	s0 =	rddreg [dreg:$0x3]  }
0xa9: {  	s0 =	sadd.s32 @!p0 $0x100000, s0  }
0xaa: {  	[sflag:s0] =	ssyncadd.tile.s32 @!p0 $0x1;
	_ =	shalt  }
.Lfunc_end2:
_tile_overlayer_lowered:
.L_overlay_start_2:
0xab: {  	(tag) =	ssettag $0x2  }
0xac: {  	s0 =	rddreg [dreg:$0x0];
	s2 =	stileid.u32  }
0xad: {  	s1 =	rddreg [dreg:$0x1];
	p0 =	sne.s32 s2, $0x0  }
0xae: {  	s3 =	rddreg [dreg:$0x2];
	[bflag:$0x3] =	sbarrier.arrive $0xFFFF;
	s2 =	simm.s32 @!p0 $0x1C04  }
0xaf: {  	[timem:s3], [sflag:s2] =	dma.local @!p0 [hbm:s0], s1  }
0xb0: {  	s0 =	simm.s32 @!p0 $0x4  }
0xb1: {  	_ =	swait.ge @!p0 [sflag:s0], s1  }
0xb2: {  	s1 =	ssub.s32 @!p0 $0x0, s1;
	[sflag:s0] =	ssyncset.done @!p0 $0x0  }
0xb3: {  	[sflag:s0] =	ssyncadd.s32 @!p0 s1  }
0xb4: {  	[bflag:$0x3] =	sbarrier.arrive $0xFFFF  }
0xb5: {  	_ =	shalt  }

// kernel: kernel.13.cloned.1.call-start
scs
__scs_entry_jumppad:
0x0: {  	(pc) =	sbr.rel $0x88, $3  }
0x1: {  	(tag) =	ssettag $0x0;
	lr =	simm.s32 $0x1  }
0x2: {  	[smem:$0x3F9E] =	sst lr;
	_ =	strace $0xD0000000  }
0x3: {  	_ = 	snop  }
0x4: {  	_ = 	snop  }
0x5: {  	_ = 	snop  }
0x6: {  	_ = 	snop  }
0x7: {  	_ = 	snop  }
__scs_overlays_trampoline_lowered:
0x8: {  	[smem:$0x3FAD] =	sst s0  }
0x9: {  	[smem:$0x3FAE] =	sst s1  }
0xa: {  	[smem:$0x3FAF] =	sst s2  }
0xb: {  	[smem:$0x3FB0] =	sst s3  }
0xc: {  	[smem:$0x3FB1] =	sst s4  }
0xd: {  	[smem:$0x3FB2] =	sst s5  }
0xe: {  	[smem:$0x3FB3] =	sst s6  }
0xf: {  	[smem:$0x3FB4] =	sst s7  }
0x10: {  	[smem:$0x3FB5] =	sst s8  }
0x11: {  	[smem:$0x3FB6] =	sst s9;
	s0 =	simm.s32 @!p0 $0x0  }
0x12: {  	s1 =	sld [smem:$0x3F9C];
	s0 =	simm.s32 @p0 $0x1  }
0x13: {  	[smem:$0x3FB7] =	sst s0;
	s0 =	simm.s32 @!p1 $0x0  }
0x14: {  	s2 =	sld [smem:$0x3F9B];
	s0 =	simm.s32 @p1 $0x1  }
0x15: {  	[smem:$0x3FB8] =	sst s0;
	s0 =	simm.s32 @!p2 $0x0  }
0x16: {  	s3 =	sld [smem:$0x3FDB];
	s0 =	simm.s32 @p2 $0x1  }
0x17: {  	s4 =	simm.s32 $0x1BF5;
	[smem:$0x3FBA] =	sst s0  }
0x18: {  	s0 =	sld [smem:$0x3F9D];
	_ =	swait.ge [sflag:s4], $0x0  }
0x19: {  	s7 =	sld [smem:$0x3F9E]  }
0x1a: {  	s8 =	sadd.s32 $0xFFFFE003, lr  }
0x1b: {  	s9 =	sadd.s32 $0xFFFFFEF7, lr;
	s5 =	simm.s32 $0xFFFFFFFF;
	p2 =	slt.u32 s8, $0xFFFFF086  }
0x1c: {  	p1 =	slt.u32 s9, $0xF7A;
	s5 =	simm.s32 @!p2 $0x0  }
0x1d: {  	s5 =	simm.s32 @p1 $0x1;
	p0 =	seq.s32 s7, s2  }
0x1e: {  	s7 =	smul.u32 @!p0 $0xF7A, s2;
	p2 =	seq.s32 @!p0 s5, $0x0  }
0x1f: {  	s9 =	smul.u32 $0xF7A, s1;
	s8 =	simm.s32 @!p0 $0x1BF5;
	p2 =	por !p2, p0  }
0x20: {  	[sflag:s8] =	ssyncset.s32 @!p0 $0xFFFFF086;
	s6 =	sadd.s32 @!p0 s3, s7;
	s7 =	simm.s32 @!p0 $0x108  }
0x21: {  	s3 =	sadd.s32 s3, s9;
	s6 =	sadd.s32 @!p0 $0x88, s6;
	s7 =	simm.s32 @p2 $0x1082  }
0x22: {  	[simem:s7], [sflag:s8] =	dma.local @!p0 [hbm:s6], $0xF7A  }
0x23: {  	s9 =	sor.u32 $0xD0000000, s2;
	s6 =	simm.s32 $0x108;
	_ =	swait.ge @!p0 [sflag:s8], $0x0  }
0x24: {  	s3 =	sadd.s32 $0x88, s3;
	s6 =	simm.s32 @!p1 $0x1082;
	[sflag:s4] =	ssyncset.s32 $0xFFFFF086  }
0x25: {  	[simem:s6], [sflag:s4] =	dma.local [hbm:s3], $0xF7A  }
0x26: {  	[smem:$0x3F9E] =	sst s1;
	(tag) =	ssettag s2;
	_ =	strace s9  }
0x27: {  	s1 =	sld [smem:$0x3FAE]  }
0x28: {  	s2 =	sld [smem:$0x3FAF]  }
0x29: {  	s4 =	sld [smem:$0x3FB1]  }
0x2a: {  	p0 =	seq.s32 s5, $0x0;
	s5 =	sld [smem:$0x3FB2]  }
0x2b: {  	s6 =	sld [smem:$0x3FB3]  }
0x2c: {  	s7 =	sld [smem:$0x3FB4]  }
0x2d: {  	s3 =	simm.s32 $0x108;
	s8 =	sld [smem:$0x3FB5]  }
0x2e: {  	s3 =	simm.s32 @!p0 $0x1082;
	s9 =	sld [smem:$0x3FB6]  }
0x2f: {  	lr =	sadd.s32 s0, s3;
	s0 =	sld [smem:$0x3FAD]  }
0x30: {  	s3 =	sld [smem:$0x3FB0]  }
0x31: {  	[smem:$0x3FB9] =	sst s10  }
0x32: {  	s10 =	sld [smem:$0x3FB7];
	_ =	sdelay $0x3  }
0x33: {  	p0 =	seq.s32 s10, $0x1;
	s10 =	sld [smem:$0x3FB9];
	_ =	sdelay $0x3  }
0x34: {  	[smem:$0x3FB9] =	sst s10  }
0x35: {  	s10 =	sld [smem:$0x3FB8];
	_ =	sdelay $0x3  }
0x36: {  	p1 =	seq.s32 s10, $0x1;
	s10 =	sld [smem:$0x3FB9];
	_ =	sdelay $0x3  }
0x37: {  	[smem:$0x3FB9] =	sst s10  }
0x38: {  	s10 =	sld [smem:$0x3FBA]  }
0x39: {  	_ = 	snop;
	(pc) =	sbr.ind lr, $3  }
0x3a: {  	_ = 	snop  }
0x3b: {  	_ = 	snop  }
0x3c: {  	p2 =	seq.s32 s10, $0x1;
	s10 =	sld [smem:$0x3FB9]  }
0x3d: {  	_ =	shalt  }
0x3e: {  	_ =	shalt  }
0x3f: {  	_ =	shalt  }
0x40: {  	_ =	shalt  }
0x41: {  	_ =	shalt  }
0x42: {  	_ =	shalt  }
0x43: {  	_ =	shalt  }
0x44: {  	_ =	shalt  }
0x45: {  	_ =	shalt  }
0x46: {  	_ =	shalt  }
0x47: {  	_ =	shalt  }
0x48: {  	_ =	shalt  }
0x49: {  	_ =	shalt  }
0x4a: {  	_ =	shalt  }
0x4b: {  	_ =	shalt  }
0x4c: {  	_ =	shalt  }
0x4d: {  	_ =	shalt  }
0x4e: {  	_ =	shalt  }
0x4f: {  	_ =	shalt  }
0x50: {  	_ =	shalt  }
0x51: {  	_ =	shalt  }
0x52: {  	_ =	shalt  }
0x53: {  	_ =	shalt  }
0x54: {  	_ =	shalt  }
0x55: {  	_ =	shalt  }
0x56: {  	_ =	shalt  }
0x57: {  	_ =	shalt  }
0x58: {  	_ =	shalt  }
0x59: {  	_ =	shalt  }
0x5a: {  	_ =	shalt  }
0x5b: {  	_ =	shalt  }
0x5c: {  	_ =	shalt  }
0x5d: {  	_ =	shalt  }
0x5e: {  	_ =	shalt  }
0x5f: {  	_ =	shalt  }
0x60: {  	_ =	shalt  }
0x61: {  	_ =	shalt  }
0x62: {  	_ =	shalt  }
0x63: {  	_ =	shalt  }
0x64: {  	_ =	shalt  }
0x65: {  	_ =	shalt  }
0x66: {  	_ =	shalt  }
0x67: {  	_ =	shalt  }
0x68: {  	_ =	shalt  }
0x69: {  	_ =	shalt  }
0x6a: {  	_ =	shalt  }
0x6b: {  	_ =	shalt  }
0x6c: {  	_ =	shalt  }
0x6d: {  	_ =	shalt  }
0x6e: {  	_ =	shalt  }
0x6f: {  	_ =	shalt  }
0x70: {  	_ =	shalt  }
0x71: {  	_ =	shalt  }
0x72: {  	_ =	shalt  }
0x73: {  	_ =	shalt  }
0x74: {  	_ =	shalt  }
0x75: {  	_ =	shalt  }
0x76: {  	_ =	shalt  }
0x77: {  	_ =	shalt  }
0x78: {  	_ =	shalt  }
0x79: {  	_ =	shalt  }
0x7a: {  	_ =	shalt  }
0x7b: {  	_ =	shalt  }
0x7c: {  	_ =	shalt  }
0x7d: {  	_ =	shalt  }
0x7e: {  	_ =	shalt  }
0x7f: {  	_ =	shalt  }
0x80: {  	_ =	shalt  }
0x81: {  	_ =	shalt  }
0x82: {  	_ =	shalt  }
0x83: {  	_ =	shalt  }
0x84: {  	_ =	shalt  }
0x85: {  	_ =	shalt  }
0x86: {  	_ =	shalt  }
0x87: {  	_ =	shalt  }
.Lfunc_end0:
.L_simem_size_0:
called_computation.1_lowered:
.L_overlay_start_0:
0x88: {  	s2 =	sld [smem:$0x3FD9]  }
0x89: {  	s3 =	sld [smem:$0x3FFE];
	_ =	sdelay $0x1  }
0x8a: {  	s1 =	srdreg.scid  }
0x8b: {  	s0 =	sand.u32 $0x1, s1  }
0x8c: {  	s17 =	sshll.u32 s0, $0xA;
	s2 =	sadd.s32 s3, s2  }
0x8d: {  	s2 =	sadd.s32 s2, s17  }
0x8e: {  	[smem:$0x3FC5] =	sst s2  }
0x8f: {  	_ = 	snop  }
0x90: {  	s2 =	sld [smem:$0x3FC7]  }
0x91: {  	s18 =	sld [smem:$0x3FD0];
	(tm) =	ssettm $0x1  }
0x92: {  	s4 =	sld [smem:$0x3FFB];
	_ =	sdelay $0x3  }
0x93: {  	_ =	strace s4  }
0x94: {  	s4 =	sld [smem:$0x3FFC];
	_ =	sdelay $0x3  }
0x95: {  	_ =	strace s4  }
0x96: {  	s4 =	sld [smem:$0x3FFD];
	_ =	sdelay $0x3  }
0x97: {  	_ =	strace s4  }
0x98: {  	_ =	strace $0x8FFFFFFF  }
0x99: {  	s19 =	sld [smem:$0x3FDB];
	_ =	sdelay $0x1  }
0x9a: {  	s5 =	simm.s32 $_scs_section_size  }
0x9b: {  	s6 =	simm.s32 $_size__tile_overlayer_lowered;
	s7 =	simm.s32 $_tile_overlayer_lowered  }
0x9c: {  	s22 =	simm.s32 $0x1BFF;
	s21 =	sshll.u32 s7, $0x1;
	s4 =	sadd.s32 s5, s19  }
0x9d: {  	s8 =	simm.s32 $0x0;
	s20 =	sshll.u32 s6, $0x1;
	s6 =	sadd.s32 s21, s4  }
0x9e: {  	[timem:s8], [sflag:s22] =	dma.local [hbm:s6], s20  }
0x9f: {  	_ =	swait.ge [sflag:s22], s20  }
0xa0: {  	s5 =	ssub.s32 $0x0, s20;
	[sflag:s22] =	ssyncset.done $0x0  }
0xa1: {  	[sflag:s22] =	ssyncadd.s32 s5;
	_ =	sdelay $0x1  }
0xa2: {  	s23 =	simm.s32 $0x1B8B  }
0xa3: {  	_ =	swait.ge [sflag:s23], $0x1  }
0xa4: {  	[sflag:s23] =	ssyncset.done $0x0  }
0xa5: {  	s25 =	simm.s32 $0x1B8E;
	s24 =	sld [smem:$0x3FFE];
	[sflag:s23] =	ssyncadd.s32 $0xFFFFFFFF  }
0xa6: {  	s26 =	simm.s32 $execute0_lowered;
	[smem:$0x3FD2] =	sst s25  }
0xa7: {  	s6 =	sshll.u32 s26, $0x1;
	_ =	strace $0x80000049;
	[dreg:$0x1] =	wrdreg $0xFFFFFFFF  }
0xa8: {  	s28 =	simm.s32 $_size_execute0_lowered;
	s4 =	sadd.s32 s4, s6;
	[dreg:$0x0] =	wrdreg $0x0  }
0xa9: {  	s6 =	sshll.u32 s28, $0x1;
	[dreg:$0x2] =	wrdreg s4  }
0xaa: {  	[dreg:$0x3] =	wrdreg s6  }
0xab: {  	[dreg:$0x4] =	wrdreg $0xC0  }
0xac: {  	_ =	task [dreg:s8], $0x5FFFF  }
0xad: {  	[dreg:$0x1] =	wrdreg $0xFFFFFFFF  }
0xae: {  	[dreg:$0x0] =	wrdreg $0x60  }
0xaf: {  	[dreg:$0x2] =	wrdreg s2  }
0xb0: {  	[dreg:$0x3] =	wrdreg s24  }
0xb1: {  	[dreg:$0x4] =	wrdreg s18  }
0xb2: {  	[dreg:$0x5] =	wrdreg $0x9  }
0xb3: {  	_ =	task.clear_ibuf [dreg:s8], $0x6FFFF;
	_ =	strace $0x90000049  }
0xb4: {  	s29 =	simm.s32 $0x9;
	_ =	strace $0x8000004B  }
0xb5: {  	_ =	swait.ge [sflag:s29], $0x1  }
0xb6: {  	[sflag:s29] =	ssyncadd.s32 $0xFFFFFFFF  }
0xb7: {  	_ =	strace $0x9000004B  }
0xb8: {  	_ =	sfence  }
0xb9: {  	s30 =	sld [smem:$0x0];
	_ =	sdelay $0x2  }
0xba: {  	s31 =	sshll.u32 s1, $0xD;
	s1 =	sshrl.u32 s1, $0x2  }
0xbb: {  	s3 =	sand.u32 $0x4000, s31;
	s1 =	sadd.s32 s1, s30  }
0xbc: {  	s0 =	sor.u32 s3, s0;
	s1 =	sshll.u32 s1, $0x11  }
0xbd: {  	s0 =	sor.u32 s1, s0  }
0xbe: {  	s0 =	sadd.s32 $0x8F2B, s0  }
0xbf: {  	[sflag:s0] =	ssyncadd.remote.s32 $0x1  }
0xc0: {  	_ =	sfence.sel $0xFFFF  }
0xc1: {  	[dreg:$0x0] =	wrdreg $0xFFFFFFFF;
	(pc) =	sbr.abs _section_cstart, $3  }
0xc2: {  	[dreg:$0x1] =	wrdreg $0xFFFFFFFF  }
0xc3: {  	_ =	task.clear_ibuf [dreg:s8], $0x2FFFF;
	_ =	strace $0x9FFFFFFF  }
0xc4: {  	(tm) =	ssettm $0x7FFFFFFF  }
0xc5: {  	_ =	shalt  }
tec
execute0_lowered:
.L_overlay_start_1:
0x0: {  	(tag) =	ssettag $0x1  }
0x1: {  	s2 =	srdreg.scid;
	s1 =	rddreg [dreg:$0x0]  }
0x2: {  	s0 =	stileid.u32;
	s4 =	rddreg [dreg:$0x1]  }
0x3: {  	s6 =	rddreg [dreg:$0x2];
	s17 =	simm.s32 $0x880;
	s18 =	simm.s32 $0x1080  }
0x4: {  	s19 =	simm.s32 $0x1880;
	s20 =	simm.s32 $0x2080;
	s21 =	simm.s32 $0x2880  }
0x5: {  	s23 =	simm.s32 $0x3080;
	s24 =	simm.s32 $0x3880;
	s25 =	simm.s32 $0x4080  }
0x6: {  	s26 =	simm.s32 $0x4880;
	s9 =	simm.s32 $0x5880;
	s2 =	sand.u32 $0x1, s2  }
0x7: {  	s10 =	simm.s32 $0x6080;
	s3 =	sshll.u32 s0, $0x8;
	s5 =	sshll.u32 s2, $0x7  }
0x8: {  	s11 =	simm.s32 $0x6880;
	s5 =	sor.u32 s5, s3;
	s3 =	simm.s32 $0x0  }
0x9: {  	s12 =	simm.s32 $0x7080;
	s13 =	simm.s32 $0x7880;
	[smem:$0x7FF] =	sst s3  }
0xa: {  	s14 =	simm.s32 $0x8080;
	_ =	strace $0x8000004A;
	[dreg:$0x7] =	wrdreg s17  }
0xb: {  	s28 =	simm.s32 $0xE880;
	s29 =	simm.s32 $0xF080;
	[dreg:$0x8] =	wrdreg s18  }
0xc: {  	s30 =	simm.s32 $0xF880;
	s2 =	ssub.s32 $0x2, s2;
	[dreg:$0x9] =	wrdreg s19  }
0xd: {  	s31 =	simm.s32 $0x2;
	s22 =	sshrl.u32 s2, $0x1;
	[dreg:$0xa] =	wrdreg s20  }
0xe: {  	s7 =	sshrl.u32 s5, $0x3;
	s5 =	sshll.u32 s5, $0x6;
	[dreg:$0xb] =	wrdreg s21  }
0xf: {  	s2 =	ssub.s32 s2, s22;
	s22 =	simm.s32 $0xC080;
	[dreg:$0xc] =	wrdreg s23  }
0x10: {  	s4 =	sadd.s32 s7, s4;
	s5 =	sadd.s32 s5, s6;
	[dreg:$0xd] =	wrdreg s24  }
0x11: {  	[dreg:$0xe] =	wrdreg s25;
	s6 =	simm.s32 $0x1;
	s7 =	simm.s32 $0x80  }
0x12: {  	[dreg:$0xf] =	wrdreg s26;
	s17 =	simm.s32 $0x9880;
	s18 =	simm.s32 $0xA080  }
0x13: {  	s19 =	simm.s32 $0xA880;
	s20 =	simm.s32 $0xB080;
	s21 =	simm.s32 $0xB880  }
0x14: {  	s23 =	simm.s32 $0xC880;
	s24 =	simm.s32 $0xD080;
	s4 =	sadd.s32 $0x1C00, s4  }
0x15: {  	s25 =	simm.s32 $0xD880;
	s15 =	sadd.s32 $0x40000, s5;
	[dreg:$0x4] =	wrdreg s4  }
0x16: {  	v2 =	vlaneseq.u32;
	s26 =	simm.s32 $0xE080;
	s16 =	sadd.s32 $0x41000, s5;
	[dreg:$0x5] =	wrdreg s15  }
0x17: {  	vm0 =	vmmov $0xffff;
	v1 =	vshrl.u32 v2, $0x3;
	s5 =	smax.u32 s2, $0x1;
	s2 =	simm.s32 $0x3;
	[dreg:$0x6] =	wrdreg s16  }
0x18: {  	v0 =	vand.u32 $0x7, v2;
	v2 =	vor.u32 $0x8, v2;
	v1 =	vmul.u32 $0x8, v1;
	s4 =	sadd.s32 $0x100, s1;
	s15 =	simm.s32 $0x8880;
	s16 =	simm.s32 $0x9080  }
.LBB2_1:
0x19: {  	s0 =	rddreg [dreg:$0x4]  }
0x1a: {  	[tilespmem:s3], [sflag:$0x1] =	stream.linear.gather [hbm4b:s0+s3], $0x80, $0x38;
	[tilespmem:$0x10080] =	vst v63  }
0x1b: {  	_ =	swait.ge [sflag:s6], $0x80  }
0x1c: {  	[sflag:s6] =	ssyncset.done $0x0  }
0x1d: {  	[sflag:s6] =	ssyncadd.s32 $0xFFFFFF80  }
0x1e: {  	v3 =	vld [tilespmem:$0x0];
	_ =	sdelay $0x4  }
0x1f: {  	v4 =	vshll.u32 v3, $0x2  }
0x20: {  	v3 =	vand.u32 $0x7, v3;
	v4 =	vand.u32 $0xFFFFFFE0, v4  }
0x21: {  	v3 =	vor.u32 v3, v4  }
0x22: {  	v4 =	vperm.xlane v3, v0;
	_ =	sdelay $0x1  }
0x23: {  	v4 =	vadd.s32 v1, v4;
	_ =	sdelay $0x1  }
0x24: {  	v3 =	vperm.xlane v3, v2;
	_ =	sdelay $0x1  }
0x25: {  	v3 =	vadd.s32 v1, v3  }
0x26: {  	[tilespmem:s7], [sflag:$0x1] =	stream.indirect_vreg.gather [hbm4b:s1+s3], $0x80, v4, vm0, $0xb8;
	[tilespmem:$0x10080] =	vst v63  }
0x27: {  	s0 =	rddreg [dreg:$0x7]  }
0x28: {  	[tilespmem:s0], [sflag:$0x1] =	stream.indirect_vreg.gather [hbm4b:s4+s3], $0x80, v4, vm0, $0xb8;
	[tilespmem:$0x10080] =	vst v63  }
0x29: {  	s8 =	rddreg [dreg:$0x8]  }
0x2a: {  	[tilespmem:s8], [sflag:$0x1] =	stream.indirect_vreg.gather [hbm4b:s1+s3], $0x80, v3, vm0, $0xb8;
	[tilespmem:$0x10080] =	vst v63  }
0x2b: {  	s0 =	rddreg [dreg:$0x9]  }
0x2c: {  	[tilespmem:s0], [sflag:$0x1] =	stream.indirect_vreg.gather [hbm4b:s4+s3], $0x80, v3, vm0, $0xb8;
	[tilespmem:$0x10080] =	vst v63  }
0x2d: {  	v3 =	vld [tilespmem:$0x10];
	_ =	sdelay $0x4  }
0x2e: {  	v57 =	vshll.u32 v3, $0x2  }
0x2f: {  	v3 =	vand.u32 $0x7, v3;
	v4 =	vand.u32 $0xFFFFFFE0, v57  }
0x30: {  	v3 =	vor.u32 v3, v4  }
0x31: {  	v4 =	vperm.xlane v3, v0;
	_ =	sdelay $0x1  }
0x32: {  	v4 =	vadd.s32 v1, v4;
	_ =	sdelay $0x1  }
0x33: {  	v3 =	vperm.xlane v3, v2;
	_ =	sdelay $0x1  }
0x34: {  	s0 =	rddreg [dreg:$0xa];
	v3 =	vadd.s32 v1, v3  }
0x35: {  	[tilespmem:s0], [sflag:$0x1] =	stream.indirect_vreg.gather [hbm4b:s1+s3], $0x80, v4, vm0, $0xb8;
	[tilespmem:$0x10080] =	vst v63  }
0x36: {  	s8 =	rddreg [dreg:$0xb]  }
0x37: {  	[tilespmem:s8], [sflag:$0x1] =	stream.indirect_vreg.gather [hbm4b:s4+s3], $0x80, v4, vm0, $0xb8;
	[tilespmem:$0x10080] =	vst v63  }
0x38: {  	s0 =	rddreg [dreg:$0xc]  }
0x39: {  	[tilespmem:s0], [sflag:$0x1] =	stream.indirect_vreg.gather [hbm4b:s1+s3], $0x80, v3, vm0, $0xb8;
	[tilespmem:$0x10080] =	vst v63  }
0x3a: {  	s8 =	rddreg [dreg:$0xd]  }
0x3b: {  	[tilespmem:s8], [sflag:$0x1] =	stream.indirect_vreg.gather [hbm4b:s4+s3], $0x80, v3, vm0, $0xb8;
	[tilespmem:$0x10080] =	vst v63  }
0x3c: {  	v3 =	vld [tilespmem:$0x20];
	_ =	sdelay $0x4  }
0x3d: {  	v58 =	vshll.u32 v3, $0x2  }
0x3e: {  	v3 =	vand.u32 $0x7, v3;
	v4 =	vand.u32 $0xFFFFFFE0, v58  }
0x3f: {  	v3 =	vor.u32 v3, v4  }
0x40: {  	v4 =	vperm.xlane v3, v0;
	_ =	sdelay $0x1  }
0x41: {  	v4 =	vadd.s32 v1, v4;
	_ =	sdelay $0x1  }
0x42: {  	v3 =	vperm.xlane v3, v2;
	_ =	sdelay $0x1  }
0x43: {  	s0 =	rddreg [dreg:$0xe];
	v3 =	vadd.s32 v1, v3  }
0x44: {  	[tilespmem:s0], [sflag:$0x1] =	stream.indirect_vreg.gather [hbm4b:s1+s3], $0x80, v4, vm0, $0xb8;
	[tilespmem:$0x10080] =	vst v63  }
0x45: {  	s8 =	rddreg [dreg:$0xf]  }
0x46: {  	[tilespmem:s8], [sflag:$0x1] =	stream.indirect_vreg.gather [hbm4b:s4+s3], $0x80, v4, vm0, $0xb8;
	[tilespmem:$0x10080] =	vst v63  }
0x47: {  	s8 =	simm.s32 $0x5080  }
0x48: {  	[tilespmem:s8], [sflag:$0x1] =	stream.indirect_vreg.gather [hbm4b:s1+s3], $0x80, v3, vm0, $0xb8;
	[tilespmem:$0x10080] =	vst v63  }
0x49: {  	_ = 	snop  }
0x4a: {  	[tilespmem:s9], [sflag:$0x1] =	stream.indirect_vreg.gather [hbm4b:s4+s3], $0x80, v3, vm0, $0xb8;
	[tilespmem:$0x10080] =	vst v63  }
0x4b: {  	v3 =	vld [tilespmem:$0x30];
	_ =	sdelay $0x4  }
0x4c: {  	v59 =	vshll.u32 v3, $0x2  }
0x4d: {  	v3 =	vand.u32 $0x7, v3;
	v4 =	vand.u32 $0xFFFFFFE0, v59  }
0x4e: {  	v3 =	vor.u32 v3, v4  }
0x4f: {  	v4 =	vperm.xlane v3, v0;
	_ =	sdelay $0x1  }
0x50: {  	v4 =	vadd.s32 v1, v4;
	_ =	sdelay $0x1  }
0x51: {  	v3 =	vperm.xlane v3, v2;
	_ =	sdelay $0x1  }
0x52: {  	v3 =	vadd.s32 v1, v3  }
0x53: {  	[tilespmem:s10], [sflag:$0x1] =	stream.indirect_vreg.gather [hbm4b:s1+s3], $0x80, v4, vm0, $0xb8;
	[tilespmem:$0x10080] =	vst v63  }
0x54: {  	_ = 	snop  }
0x55: {  	[tilespmem:s11], [sflag:$0x1] =	stream.indirect_vreg.gather [hbm4b:s4+s3], $0x80, v4, vm0, $0xb8;
	[tilespmem:$0x10080] =	vst v63  }
0x56: {  	_ = 	snop  }
0x57: {  	[tilespmem:s12], [sflag:$0x1] =	stream.indirect_vreg.gather [hbm4b:s1+s3], $0x80, v3, vm0, $0xb8;
	[tilespmem:$0x10080] =	vst v63  }
0x58: {  	_ = 	snop  }
0x59: {  	[tilespmem:s13], [sflag:$0x1] =	stream.indirect_vreg.gather [hbm4b:s4+s3], $0x80, v3, vm0, $0xb8;
	[tilespmem:$0x10080] =	vst v63  }
0x5a: {  	_ =	swait.ge [sflag:s6], $0x8000  }
0x5b: {  	[sflag:s6] =	ssyncset.done $0x0  }
0x5c: {  	s8 =	rddreg [dreg:$0x5];
	[sflag:s6] =	ssyncadd.s32 $0xFFFF8000  }
0x5d: {  	[hbm4b:s8+s3] =	stream.linear.scatter [tilespmem:s7], [sflag:$0x2], $0x8000, $0x38;
	[tilespmem:$0x10080] =	vst v63  }
0x5e: {  	v3 =	vld [tilespmem:$0x40];
	_ =	sdelay $0x4  }
0x5f: {  	v60 =	vshll.u32 v3, $0x2  }
0x60: {  	v3 =	vand.u32 $0x7, v3;
	v4 =	vand.u32 $0xFFFFFFE0, v60  }
0x61: {  	v3 =	vor.u32 v3, v4  }
0x62: {  	v4 =	vperm.xlane v3, v0;
	_ =	sdelay $0x1  }
0x63: {  	v4 =	vadd.s32 v1, v4;
	_ =	sdelay $0x1  }
0x64: {  	v3 =	vperm.xlane v3, v2;
	_ =	sdelay $0x1  }
0x65: {  	v3 =	vadd.s32 v1, v3  }
0x66: {  	[tilespmem:s14], [sflag:$0x1] =	stream.indirect_vreg.gather [hbm4b:s1+s3], $0x80, v4, vm0, $0xb8;
	[tilespmem:$0x10080] =	vst v63  }
0x67: {  	_ = 	snop  }
0x68: {  	[tilespmem:s15], [sflag:$0x1] =	stream.indirect_vreg.gather [hbm4b:s4+s3], $0x80, v4, vm0, $0xb8;
	[tilespmem:$0x10080] =	vst v63  }
0x69: {  	_ = 	snop  }
0x6a: {  	[tilespmem:s16], [sflag:$0x1] =	stream.indirect_vreg.gather [hbm4b:s1+s3], $0x80, v3, vm0, $0xb8;
	[tilespmem:$0x10080] =	vst v63  }
0x6b: {  	_ = 	snop  }
0x6c: {  	[tilespmem:s17], [sflag:$0x1] =	stream.indirect_vreg.gather [hbm4b:s4+s3], $0x80, v3, vm0, $0xb8;
	[tilespmem:$0x10080] =	vst v63  }
0x6d: {  	v3 =	vld [tilespmem:$0x50];
	_ =	sdelay $0x4  }
0x6e: {  	v61 =	vshll.u32 v3, $0x2  }
0x6f: {  	v3 =	vand.u32 $0x7, v3;
	v4 =	vand.u32 $0xFFFFFFE0, v61  }
0x70: {  	v3 =	vor.u32 v3, v4  }
0x71: {  	v4 =	vperm.xlane v3, v0;
	_ =	sdelay $0x1  }
0x72: {  	v4 =	vadd.s32 v1, v4;
	_ =	sdelay $0x1  }
0x73: {  	v3 =	vperm.xlane v3, v2;
	_ =	sdelay $0x1  }
0x74: {  	v3 =	vadd.s32 v1, v3  }
0x75: {  	[tilespmem:s18], [sflag:$0x1] =	stream.indirect_vreg.gather [hbm4b:s1+s3], $0x80, v4, vm0, $0xb8;
	[tilespmem:$0x10080] =	vst v63  }
0x76: {  	_ = 	snop  }
0x77: {  	[tilespmem:s19], [sflag:$0x1] =	stream.indirect_vreg.gather [hbm4b:s4+s3], $0x80, v4, vm0, $0xb8;
	[tilespmem:$0x10080] =	vst v63  }
0x78: {  	_ = 	snop  }
0x79: {  	[tilespmem:s20], [sflag:$0x1] =	stream.indirect_vreg.gather [hbm4b:s1+s3], $0x80, v3, vm0, $0xb8;
	[tilespmem:$0x10080] =	vst v63  }
0x7a: {  	_ = 	snop  }
0x7b: {  	[tilespmem:s21], [sflag:$0x1] =	stream.indirect_vreg.gather [hbm4b:s4+s3], $0x80, v3, vm0, $0xb8;
	[tilespmem:$0x10080] =	vst v63  }
0x7c: {  	v3 =	vld [tilespmem:$0x60];
	_ =	sdelay $0x4  }
0x7d: {  	v62 =	vshll.u32 v3, $0x2  }
0x7e: {  	v3 =	vand.u32 $0x7, v3;
	v4 =	vand.u32 $0xFFFFFFE0, v62  }
0x7f: {  	v3 =	vor.u32 v3, v4  }
0x80: {  	v4 =	vperm.xlane v3, v0;
	_ =	sdelay $0x1  }
0x81: {  	v4 =	vadd.s32 v1, v4;
	_ =	sdelay $0x1  }
0x82: {  	v3 =	vperm.xlane v3, v2;
	_ =	sdelay $0x1  }
0x83: {  	v3 =	vadd.s32 v1, v3  }
0x84: {  	[tilespmem:s22], [sflag:$0x1] =	stream.indirect_vreg.gather [hbm4b:s1+s3], $0x80, v4, vm0, $0xb8;
	[tilespmem:$0x10080] =	vst v63  }
0x85: {  	_ = 	snop  }
0x86: {  	[tilespmem:s23], [sflag:$0x1] =	stream.indirect_vreg.gather [hbm4b:s4+s3], $0x80, v4, vm0, $0xb8;
	[tilespmem:$0x10080] =	vst v63  }
0x87: {  	_ = 	snop  }
0x88: {  	[tilespmem:s24], [sflag:$0x1] =	stream.indirect_vreg.gather [hbm4b:s1+s3], $0x80, v3, vm0, $0xb8;
	[tilespmem:$0x10080] =	vst v63  }
0x89: {  	_ = 	snop  }
0x8a: {  	[tilespmem:s25], [sflag:$0x1] =	stream.indirect_vreg.gather [hbm4b:s4+s3], $0x80, v3, vm0, $0xb8;
	[tilespmem:$0x10080] =	vst v63  }
0x8b: {  	v3 =	vld [tilespmem:$0x70];
	_ =	sdelay $0x4  }
0x8c: {  	v63 =	vshll.u32 v3, $0x2  }
0x8d: {  	v3 =	vand.u32 $0x7, v3;
	v4 =	vand.u32 $0xFFFFFFE0, v63  }
0x8e: {  	v3 =	vor.u32 v3, v4  }
0x8f: {  	v4 =	vperm.xlane v3, v0;
	_ =	sdelay $0x1  }
0x90: {  	v4 =	vadd.s32 v1, v4;
	_ =	sdelay $0x1  }
0x91: {  	v3 =	vperm.xlane v3, v2;
	_ =	sdelay $0x1  }
0x92: {  	v3 =	vadd.s32 v1, v3  }
0x93: {  	[tilespmem:s26], [sflag:$0x1] =	stream.indirect_vreg.gather [hbm4b:s1+s3], $0x80, v4, vm0, $0xb8;
	[tilespmem:$0x10080] =	vst v63  }
0x94: {  	_ = 	snop  }
0x95: {  	[tilespmem:s28], [sflag:$0x1] =	stream.indirect_vreg.gather [hbm4b:s4+s3], $0x80, v4, vm0, $0xb8;
	[tilespmem:$0x10080] =	vst v63  }
0x96: {  	_ = 	snop  }
0x97: {  	[tilespmem:s29], [sflag:$0x1] =	stream.indirect_vreg.gather [hbm4b:s1+s3], $0x80, v3, vm0, $0xb8;
	[tilespmem:$0x10080] =	vst v63  }
0x98: {  	_ = 	snop  }
0x99: {  	[tilespmem:s30], [sflag:$0x1] =	stream.indirect_vreg.gather [hbm4b:s4+s3], $0x80, v3, vm0, $0xb8;
	[tilespmem:$0x10080] =	vst v63  }
0x9a: {  	_ =	swait.ge [sflag:s6], $0x8000  }
0x9b: {  	[sflag:s6] =	ssyncset.done $0x0  }
0x9c: {  	s8 =	rddreg [dreg:$0x6];
	[sflag:s6] =	ssyncadd.s32 $0xFFFF8000  }
0x9d: {  	[hbm4b:s8+s3] =	stream.linear.scatter [tilespmem:s14], [sflag:$0x3], $0x8000, $0x38;
	[tilespmem:$0x10080] =	vst v63  }
0x9e: {  	p0 =	sne.s32 s5, $0x1;
	_ =	swait.ge [sflag:s31], $0x8000  }
.Ltmp0:
0x9f: {  	[sflag:s31] =	ssyncset.done $0x0;
	(pc) =	sbr.rel @p0 .LBB2_1-.Ltmp0, $4  }
0xa0: {  	[sflag:s31] =	ssyncadd.s32 $0xFFFF8000  }
0xa1: {  	_ =	swait.ge [sflag:s2], $0x8000  }
0xa2: {  	[sflag:s2] =	ssyncset.done $0x0  }
0xa3: {  	s5 =	sadd.s32 $0xFFFFFFFF, s5;
	[sflag:s2] =	ssyncadd.s32 $0xFFFF8000  }
0xa4: {  	_ =	sfence.sel $0x180000  }
0xa5: {  	[bflag:$0x0] =	sbarrier.arrive $0xFFFF  }
0xa6: {  	_ =	strace $0x9000004A  }
0xa7: {  	s0 =	stileid.u32;
	[bflag:$0x2] =	sbarrier.arrive $0xFFFF  }
0xa8: {  	p0 =	sne.s32 s0, $0x0;
	s0 =	rddreg [dreg:$0x3]  }
0xa9: {  	s0 =	sadd.s32 @!p0 $0x100000, s0  }
0xaa: {  	[sflag:s0] =	ssyncadd.tile.s32 @!p0 $0x1;
	_ =	shalt  }
.Lfunc_end2:
_tile_overlayer_lowered:
.L_overlay_start_2:
0xab: {  	(tag) =	ssettag $0x2  }
0xac: {  	s0 =	rddreg [dreg:$0x0];
	s2 =	stileid.u32  }
0xad: {  	s1 =	rddreg [dreg:$0x1];
	p0 =	sne.s32 s2, $0x0  }
0xae: {  	s3 =	rddreg [dreg:$0x2];
	[bflag:$0x3] =	sbarrier.arrive $0xFFFF;
	s2 =	simm.s32 @!p0 $0x1C04  }
0xaf: {  	[timem:s3], [sflag:s2] =	dma.local @!p0 [hbm:s0], s1  }
0xb0: {  	s0 =	simm.s32 @!p0 $0x4  }
0xb1: {  	_ =	swait.ge @!p0 [sflag:s0], s1  }
0xb2: {  	s1 =	ssub.s32 @!p0 $0x0, s1;
	[sflag:s0] =	ssyncset.done @!p0 $0x0  }
0xb3: {  	[sflag:s0] =	ssyncadd.s32 @!p0 s1  }
0xb4: {  	[bflag:$0x3] =	sbarrier.arrive $0xFFFF  }
0xb5: {  	_ =	shalt  }

// kernel: kernel.16.cloned.1.call-start
scs
__scs_entry_jumppad:
0x0: {  	(pc) =	sbr.rel $0x88, $3  }
0x1: {  	(tag) =	ssettag $0x0;
	lr =	simm.s32 $0x1  }
0x2: {  	[smem:$0x3F9E] =	sst lr;
	_ =	strace $0xD0000000  }
0x3: {  	_ = 	snop  }
0x4: {  	_ = 	snop  }
0x5: {  	_ = 	snop  }
0x6: {  	_ = 	snop  }
0x7: {  	_ = 	snop  }
__scs_overlays_trampoline_lowered:
0x8: {  	[smem:$0x3FAD] =	sst s0  }
0x9: {  	[smem:$0x3FAE] =	sst s1  }
0xa: {  	[smem:$0x3FAF] =	sst s2  }
0xb: {  	[smem:$0x3FB0] =	sst s3  }
0xc: {  	[smem:$0x3FB1] =	sst s4  }
0xd: {  	[smem:$0x3FB2] =	sst s5  }
0xe: {  	[smem:$0x3FB3] =	sst s6  }
0xf: {  	[smem:$0x3FB4] =	sst s7  }
0x10: {  	[smem:$0x3FB5] =	sst s8  }
0x11: {  	[smem:$0x3FB6] =	sst s9;
	s0 =	simm.s32 @!p0 $0x0  }
0x12: {  	s1 =	sld [smem:$0x3F9C];
	s0 =	simm.s32 @p0 $0x1  }
0x13: {  	[smem:$0x3FB7] =	sst s0;
	s0 =	simm.s32 @!p1 $0x0  }
0x14: {  	s2 =	sld [smem:$0x3F9B];
	s0 =	simm.s32 @p1 $0x1  }
0x15: {  	[smem:$0x3FB8] =	sst s0;
	s0 =	simm.s32 @!p2 $0x0  }
0x16: {  	s3 =	sld [smem:$0x3FDB];
	s0 =	simm.s32 @p2 $0x1  }
0x17: {  	s4 =	simm.s32 $0x1BF5;
	[smem:$0x3FBA] =	sst s0  }
0x18: {  	s0 =	sld [smem:$0x3F9D];
	_ =	swait.ge [sflag:s4], $0x0  }
0x19: {  	s7 =	sld [smem:$0x3F9E]  }
0x1a: {  	s8 =	sadd.s32 $0xFFFFE003, lr  }
0x1b: {  	s9 =	sadd.s32 $0xFFFFFEF7, lr;
	s5 =	simm.s32 $0xFFFFFFFF;
	p2 =	slt.u32 s8, $0xFFFFF086  }
0x1c: {  	p1 =	slt.u32 s9, $0xF7A;
	s5 =	simm.s32 @!p2 $0x0  }
0x1d: {  	s5 =	simm.s32 @p1 $0x1;
	p0 =	seq.s32 s7, s2  }
0x1e: {  	s7 =	smul.u32 @!p0 $0xF7A, s2;
	p2 =	seq.s32 @!p0 s5, $0x0  }
0x1f: {  	s9 =	smul.u32 $0xF7A, s1;
	s8 =	simm.s32 @!p0 $0x1BF5;
	p2 =	por !p2, p0  }
0x20: {  	[sflag:s8] =	ssyncset.s32 @!p0 $0xFFFFF086;
	s6 =	sadd.s32 @!p0 s3, s7;
	s7 =	simm.s32 @!p0 $0x108  }
0x21: {  	s3 =	sadd.s32 s3, s9;
	s6 =	sadd.s32 @!p0 $0x88, s6;
	s7 =	simm.s32 @p2 $0x1082  }
0x22: {  	[simem:s7], [sflag:s8] =	dma.local @!p0 [hbm:s6], $0xF7A  }
0x23: {  	s9 =	sor.u32 $0xD0000000, s2;
	s6 =	simm.s32 $0x108;
	_ =	swait.ge @!p0 [sflag:s8], $0x0  }
0x24: {  	s3 =	sadd.s32 $0x88, s3;
	s6 =	simm.s32 @!p1 $0x1082;
	[sflag:s4] =	ssyncset.s32 $0xFFFFF086  }
0x25: {  	[simem:s6], [sflag:s4] =	dma.local [hbm:s3], $0xF7A  }
0x26: {  	[smem:$0x3F9E] =	sst s1;
	(tag) =	ssettag s2;
	_ =	strace s9  }
0x27: {  	s1 =	sld [smem:$0x3FAE]  }
0x28: {  	s2 =	sld [smem:$0x3FAF]  }
0x29: {  	s4 =	sld [smem:$0x3FB1]  }
0x2a: {  	p0 =	seq.s32 s5, $0x0;
	s5 =	sld [smem:$0x3FB2]  }
0x2b: {  	s6 =	sld [smem:$0x3FB3]  }
0x2c: {  	s7 =	sld [smem:$0x3FB4]  }
0x2d: {  	s3 =	simm.s32 $0x108;
	s8 =	sld [smem:$0x3FB5]  }
0x2e: {  	s3 =	simm.s32 @!p0 $0x1082;
	s9 =	sld [smem:$0x3FB6]  }
0x2f: {  	lr =	sadd.s32 s0, s3;
	s0 =	sld [smem:$0x3FAD]  }
0x30: {  	s3 =	sld [smem:$0x3FB0]  }
0x31: {  	[smem:$0x3FB9] =	sst s10  }
0x32: {  	s10 =	sld [smem:$0x3FB7];
	_ =	sdelay $0x3  }
0x33: {  	p0 =	seq.s32 s10, $0x1;
	s10 =	sld [smem:$0x3FB9];
	_ =	sdelay $0x3  }
0x34: {  	[smem:$0x3FB9] =	sst s10  }
0x35: {  	s10 =	sld [smem:$0x3FB8];
	_ =	sdelay $0x3  }
0x36: {  	p1 =	seq.s32 s10, $0x1;
	s10 =	sld [smem:$0x3FB9];
	_ =	sdelay $0x3  }
0x37: {  	[smem:$0x3FB9] =	sst s10  }
0x38: {  	s10 =	sld [smem:$0x3FBA]  }
0x39: {  	_ = 	snop;
	(pc) =	sbr.ind lr, $3  }
0x3a: {  	_ = 	snop  }
0x3b: {  	_ = 	snop  }
0x3c: {  	p2 =	seq.s32 s10, $0x1;
	s10 =	sld [smem:$0x3FB9]  }
0x3d: {  	_ =	shalt  }
0x3e: {  	_ =	shalt  }
0x3f: {  	_ =	shalt  }
0x40: {  	_ =	shalt  }
0x41: {  	_ =	shalt  }
0x42: {  	_ =	shalt  }
0x43: {  	_ =	shalt  }
0x44: {  	_ =	shalt  }
0x45: {  	_ =	shalt  }
0x46: {  	_ =	shalt  }
0x47: {  	_ =	shalt  }
0x48: {  	_ =	shalt  }
0x49: {  	_ =	shalt  }
0x4a: {  	_ =	shalt  }
0x4b: {  	_ =	shalt  }
0x4c: {  	_ =	shalt  }
0x4d: {  	_ =	shalt  }
0x4e: {  	_ =	shalt  }
0x4f: {  	_ =	shalt  }
0x50: {  	_ =	shalt  }
0x51: {  	_ =	shalt  }
0x52: {  	_ =	shalt  }
0x53: {  	_ =	shalt  }
0x54: {  	_ =	shalt  }
0x55: {  	_ =	shalt  }
0x56: {  	_ =	shalt  }
0x57: {  	_ =	shalt  }
0x58: {  	_ =	shalt  }
0x59: {  	_ =	shalt  }
0x5a: {  	_ =	shalt  }
0x5b: {  	_ =	shalt  }
0x5c: {  	_ =	shalt  }
0x5d: {  	_ =	shalt  }
0x5e: {  	_ =	shalt  }
0x5f: {  	_ =	shalt  }
0x60: {  	_ =	shalt  }
0x61: {  	_ =	shalt  }
0x62: {  	_ =	shalt  }
0x63: {  	_ =	shalt  }
0x64: {  	_ =	shalt  }
0x65: {  	_ =	shalt  }
0x66: {  	_ =	shalt  }
0x67: {  	_ =	shalt  }
0x68: {  	_ =	shalt  }
0x69: {  	_ =	shalt  }
0x6a: {  	_ =	shalt  }
0x6b: {  	_ =	shalt  }
0x6c: {  	_ =	shalt  }
0x6d: {  	_ =	shalt  }
0x6e: {  	_ =	shalt  }
0x6f: {  	_ =	shalt  }
0x70: {  	_ =	shalt  }
0x71: {  	_ =	shalt  }
0x72: {  	_ =	shalt  }
0x73: {  	_ =	shalt  }
0x74: {  	_ =	shalt  }
0x75: {  	_ =	shalt  }
0x76: {  	_ =	shalt  }
0x77: {  	_ =	shalt  }
0x78: {  	_ =	shalt  }
0x79: {  	_ =	shalt  }
0x7a: {  	_ =	shalt  }
0x7b: {  	_ =	shalt  }
0x7c: {  	_ =	shalt  }
0x7d: {  	_ =	shalt  }
0x7e: {  	_ =	shalt  }
0x7f: {  	_ =	shalt  }
0x80: {  	_ =	shalt  }
0x81: {  	_ =	shalt  }
0x82: {  	_ =	shalt  }
0x83: {  	_ =	shalt  }
0x84: {  	_ =	shalt  }
0x85: {  	_ =	shalt  }
0x86: {  	_ =	shalt  }
0x87: {  	_ =	shalt  }
.Lfunc_end0:
.L_simem_size_0:
called_computation.2_lowered:
.L_overlay_start_0:
0x88: {  	s2 =	sld [smem:$0x3FD9]  }
0x89: {  	s3 =	sld [smem:$0x3FFE];
	_ =	sdelay $0x1  }
0x8a: {  	s1 =	srdreg.scid  }
0x8b: {  	s0 =	sand.u32 $0x1, s1  }
0x8c: {  	s17 =	sshll.u32 s0, $0xA;
	s2 =	sadd.s32 s3, s2  }
0x8d: {  	s2 =	sadd.s32 s2, s17  }
0x8e: {  	[smem:$0x3FC5] =	sst s2  }
0x8f: {  	_ = 	snop  }
0x90: {  	s2 =	sld [smem:$0x3FC7]  }
0x91: {  	s18 =	sld [smem:$0x3FD0];
	(tm) =	ssettm $0x1  }
0x92: {  	s4 =	sld [smem:$0x3FFB];
	_ =	sdelay $0x3  }
0x93: {  	_ =	strace s4  }
0x94: {  	s4 =	sld [smem:$0x3FFC];
	_ =	sdelay $0x3  }
0x95: {  	_ =	strace s4  }
0x96: {  	s4 =	sld [smem:$0x3FFD];
	_ =	sdelay $0x3  }
0x97: {  	_ =	strace s4  }
0x98: {  	_ =	strace $0x8FFFFFFF  }
0x99: {  	s19 =	sld [smem:$0x3FDB];
	_ =	sdelay $0x1  }
0x9a: {  	s5 =	simm.s32 $_scs_section_size  }
0x9b: {  	s6 =	simm.s32 $_size__tile_overlayer_lowered;
	s7 =	simm.s32 $_tile_overlayer_lowered  }
0x9c: {  	s22 =	simm.s32 $0x1BFF;
	s21 =	sshll.u32 s7, $0x1;
	s4 =	sadd.s32 s5, s19  }
0x9d: {  	s8 =	simm.s32 $0x0;
	s20 =	sshll.u32 s6, $0x1;
	s6 =	sadd.s32 s21, s4  }
0x9e: {  	[timem:s8], [sflag:s22] =	dma.local [hbm:s6], s20  }
0x9f: {  	_ =	swait.ge [sflag:s22], s20  }
0xa0: {  	s5 =	ssub.s32 $0x0, s20;
	[sflag:s22] =	ssyncset.done $0x0  }
0xa1: {  	[sflag:s22] =	ssyncadd.s32 s5;
	_ =	sdelay $0x1  }
0xa2: {  	s23 =	simm.s32 $0x1B8B  }
0xa3: {  	_ =	swait.ge [sflag:s23], $0x1  }
0xa4: {  	[sflag:s23] =	ssyncset.done $0x0  }
0xa5: {  	s25 =	simm.s32 $0x1B8E;
	s24 =	sld [smem:$0x3FFE];
	[sflag:s23] =	ssyncadd.s32 $0xFFFFFFFF  }
0xa6: {  	s26 =	simm.s32 $execute0_lowered;
	[smem:$0x3FD2] =	sst s25  }
0xa7: {  	s6 =	sshll.u32 s26, $0x1;
	_ =	strace $0x8000004C;
	[dreg:$0x1] =	wrdreg $0xFFFFFFFF  }
0xa8: {  	s28 =	simm.s32 $_size_execute0_lowered;
	s4 =	sadd.s32 s4, s6;
	[dreg:$0x0] =	wrdreg $0x0  }
0xa9: {  	s6 =	sshll.u32 s28, $0x1;
	[dreg:$0x2] =	wrdreg s4  }
0xaa: {  	[dreg:$0x3] =	wrdreg s6  }
0xab: {  	[dreg:$0x4] =	wrdreg $0xC0  }
0xac: {  	_ =	task [dreg:s8], $0x5FFFF  }
0xad: {  	[dreg:$0x1] =	wrdreg $0xFFFFFFFF  }
0xae: {  	[dreg:$0x0] =	wrdreg $0x60  }
0xaf: {  	[dreg:$0x2] =	wrdreg s2  }
0xb0: {  	[dreg:$0x3] =	wrdreg s24  }
0xb1: {  	[dreg:$0x4] =	wrdreg s18  }
0xb2: {  	[dreg:$0x5] =	wrdreg $0x9  }
0xb3: {  	_ =	task.clear_ibuf [dreg:s8], $0x6FFFF;
	_ =	strace $0x9000004C  }
0xb4: {  	s29 =	simm.s32 $0x9;
	_ =	strace $0x8000004E  }
0xb5: {  	_ =	swait.ge [sflag:s29], $0x1  }
0xb6: {  	[sflag:s29] =	ssyncadd.s32 $0xFFFFFFFF  }
0xb7: {  	_ =	strace $0x9000004E  }
0xb8: {  	_ =	sfence  }
0xb9: {  	s30 =	sld [smem:$0x0];
	_ =	sdelay $0x2  }
0xba: {  	s31 =	sshll.u32 s1, $0xD;
	s1 =	sshrl.u32 s1, $0x2  }
0xbb: {  	s3 =	sand.u32 $0x4000, s31;
	s1 =	sadd.s32 s1, s30  }
0xbc: {  	s0 =	sor.u32 s3, s0;
	s1 =	sshll.u32 s1, $0x11  }
0xbd: {  	s0 =	sor.u32 s1, s0  }
0xbe: {  	s0 =	sadd.s32 $0x8F2B, s0  }
0xbf: {  	[sflag:s0] =	ssyncadd.remote.s32 $0x1  }
0xc0: {  	_ =	sfence.sel $0xFFFF  }
0xc1: {  	[dreg:$0x0] =	wrdreg $0xFFFFFFFF;
	(pc) =	sbr.abs _section_cstart, $3  }
0xc2: {  	[dreg:$0x1] =	wrdreg $0xFFFFFFFF  }
0xc3: {  	_ =	task.clear_ibuf [dreg:s8], $0x2FFFF;
	_ =	strace $0x9FFFFFFF  }
0xc4: {  	(tm) =	ssettm $0x7FFFFFFF  }
0xc5: {  	_ =	shalt  }
tec
execute0_lowered:
.L_overlay_start_1:
0x0: {  	(tag) =	ssettag $0x1  }
0x1: {  	s2 =	srdreg.scid;
	s1 =	rddreg [dreg:$0x0]  }
0x2: {  	s0 =	stileid.u32;
	s4 =	rddreg [dreg:$0x1]  }
0x3: {  	s6 =	rddreg [dreg:$0x2];
	s17 =	simm.s32 $0x880;
	s18 =	simm.s32 $0x1080  }
0x4: {  	s19 =	simm.s32 $0x1880;
	s20 =	simm.s32 $0x2080;
	s21 =	simm.s32 $0x2880  }
0x5: {  	s23 =	simm.s32 $0x3080;
	s24 =	simm.s32 $0x3880;
	s25 =	simm.s32 $0x4080  }
0x6: {  	s26 =	simm.s32 $0x4880;
	s9 =	simm.s32 $0x5880;
	s2 =	sand.u32 $0x1, s2  }
0x7: {  	s10 =	simm.s32 $0x6080;
	s3 =	sshll.u32 s0, $0x8;
	s5 =	sshll.u32 s2, $0x7  }
0x8: {  	s11 =	simm.s32 $0x6880;
	s5 =	sor.u32 s5, s3;
	s3 =	simm.s32 $0x0  }
0x9: {  	s12 =	simm.s32 $0x7080;
	s13 =	simm.s32 $0x7880;
	[smem:$0x7FF] =	sst s3  }
0xa: {  	s14 =	simm.s32 $0x8080;
	_ =	strace $0x8000004D;
	[dreg:$0x7] =	wrdreg s17  }
0xb: {  	s28 =	simm.s32 $0xE880;
	s29 =	simm.s32 $0xF080;
	[dreg:$0x8] =	wrdreg s18  }
0xc: {  	s30 =	simm.s32 $0xF880;
	s2 =	ssub.s32 $0x2, s2;
	[dreg:$0x9] =	wrdreg s19  }
0xd: {  	s31 =	simm.s32 $0x2;
	s22 =	sshrl.u32 s2, $0x1;
	[dreg:$0xa] =	wrdreg s20  }
0xe: {  	s7 =	sshrl.u32 s5, $0x3;
	s5 =	sshll.u32 s5, $0x6;
	[dreg:$0xb] =	wrdreg s21  }
0xf: {  	s2 =	ssub.s32 s2, s22;
	s22 =	simm.s32 $0xC080;
	[dreg:$0xc] =	wrdreg s23  }
0x10: {  	s4 =	sadd.s32 s7, s4;
	s5 =	sadd.s32 s5, s6;
	[dreg:$0xd] =	wrdreg s24  }
0x11: {  	[dreg:$0xe] =	wrdreg s25;
	s6 =	simm.s32 $0x1;
	s7 =	simm.s32 $0x80  }
0x12: {  	[dreg:$0xf] =	wrdreg s26;
	s17 =	simm.s32 $0x9880;
	s18 =	simm.s32 $0xA080  }
0x13: {  	s19 =	simm.s32 $0xA880;
	s20 =	simm.s32 $0xB080;
	s21 =	simm.s32 $0xB880  }
0x14: {  	s23 =	simm.s32 $0xC880;
	s24 =	simm.s32 $0xD080;
	s4 =	sadd.s32 $0x1A00, s4  }
0x15: {  	s25 =	simm.s32 $0xD880;
	s15 =	sadd.s32 $0x80000, s5;
	[dreg:$0x4] =	wrdreg s4  }
0x16: {  	v2 =	vlaneseq.u32;
	s26 =	simm.s32 $0xE080;
	s16 =	sadd.s32 $0x81000, s5;
	[dreg:$0x5] =	wrdreg s15  }
0x17: {  	vm0 =	vmmov $0xffff;
	v1 =	vshrl.u32 v2, $0x3;
	s5 =	smax.u32 s2, $0x1;
	s2 =	simm.s32 $0x3;
	[dreg:$0x6] =	wrdreg s16  }
0x18: {  	v0 =	vand.u32 $0x7, v2;
	v2 =	vor.u32 $0x8, v2;
	v1 =	vmul.u32 $0x8, v1;
	s4 =	sadd.s32 $0x100, s1;
	s15 =	simm.s32 $0x8880;
	s16 =	simm.s32 $0x9080  }
.LBB2_1:
0x19: {  	s0 =	rddreg [dreg:$0x4]  }
0x1a: {  	[tilespmem:s3], [sflag:$0x1] =	stream.linear.gather [hbm4b:s0+s3], $0x80, $0x38;
	[tilespmem:$0x10080] =	vst v63  }
0x1b: {  	_ =	swait.ge [sflag:s6], $0x80  }
0x1c: {  	[sflag:s6] =	ssyncset.done $0x0  }
0x1d: {  	[sflag:s6] =	ssyncadd.s32 $0xFFFFFF80  }
0x1e: {  	v3 =	vld [tilespmem:$0x0];
	_ =	sdelay $0x4  }
0x1f: {  	v4 =	vshll.u32 v3, $0x2  }
0x20: {  	v3 =	vand.u32 $0x7, v3;
	v4 =	vand.u32 $0xFFFFFFE0, v4  }
0x21: {  	v3 =	vor.u32 v3, v4  }
0x22: {  	v4 =	vperm.xlane v3, v0;
	_ =	sdelay $0x1  }
0x23: {  	v4 =	vadd.s32 v1, v4;
	_ =	sdelay $0x1  }
0x24: {  	v3 =	vperm.xlane v3, v2;
	_ =	sdelay $0x1  }
0x25: {  	v3 =	vadd.s32 v1, v3  }
0x26: {  	[tilespmem:s7], [sflag:$0x1] =	stream.indirect_vreg.gather [hbm4b:s1+s3], $0x80, v4, vm0, $0xb8;
	[tilespmem:$0x10080] =	vst v63  }
0x27: {  	s0 =	rddreg [dreg:$0x7]  }
0x28: {  	[tilespmem:s0], [sflag:$0x1] =	stream.indirect_vreg.gather [hbm4b:s4+s3], $0x80, v4, vm0, $0xb8;
	[tilespmem:$0x10080] =	vst v63  }
0x29: {  	s8 =	rddreg [dreg:$0x8]  }
0x2a: {  	[tilespmem:s8], [sflag:$0x1] =	stream.indirect_vreg.gather [hbm4b:s1+s3], $0x80, v3, vm0, $0xb8;
	[tilespmem:$0x10080] =	vst v63  }
0x2b: {  	s0 =	rddreg [dreg:$0x9]  }
0x2c: {  	[tilespmem:s0], [sflag:$0x1] =	stream.indirect_vreg.gather [hbm4b:s4+s3], $0x80, v3, vm0, $0xb8;
	[tilespmem:$0x10080] =	vst v63  }
0x2d: {  	v3 =	vld [tilespmem:$0x10];
	_ =	sdelay $0x4  }
0x2e: {  	v57 =	vshll.u32 v3, $0x2  }
0x2f: {  	v3 =	vand.u32 $0x7, v3;
	v4 =	vand.u32 $0xFFFFFFE0, v57  }
0x30: {  	v3 =	vor.u32 v3, v4  }
0x31: {  	v4 =	vperm.xlane v3, v0;
	_ =	sdelay $0x1  }
0x32: {  	v4 =	vadd.s32 v1, v4;
	_ =	sdelay $0x1  }
0x33: {  	v3 =	vperm.xlane v3, v2;
	_ =	sdelay $0x1  }
0x34: {  	s0 =	rddreg [dreg:$0xa];
	v3 =	vadd.s32 v1, v3  }
0x35: {  	[tilespmem:s0], [sflag:$0x1] =	stream.indirect_vreg.gather [hbm4b:s1+s3], $0x80, v4, vm0, $0xb8;
	[tilespmem:$0x10080] =	vst v63  }
0x36: {  	s8 =	rddreg [dreg:$0xb]  }
0x37: {  	[tilespmem:s8], [sflag:$0x1] =	stream.indirect_vreg.gather [hbm4b:s4+s3], $0x80, v4, vm0, $0xb8;
	[tilespmem:$0x10080] =	vst v63  }
0x38: {  	s0 =	rddreg [dreg:$0xc]  }
0x39: {  	[tilespmem:s0], [sflag:$0x1] =	stream.indirect_vreg.gather [hbm4b:s1+s3], $0x80, v3, vm0, $0xb8;
	[tilespmem:$0x10080] =	vst v63  }
0x3a: {  	s8 =	rddreg [dreg:$0xd]  }
0x3b: {  	[tilespmem:s8], [sflag:$0x1] =	stream.indirect_vreg.gather [hbm4b:s4+s3], $0x80, v3, vm0, $0xb8;
	[tilespmem:$0x10080] =	vst v63  }
0x3c: {  	v3 =	vld [tilespmem:$0x20];
	_ =	sdelay $0x4  }
0x3d: {  	v58 =	vshll.u32 v3, $0x2  }
0x3e: {  	v3 =	vand.u32 $0x7, v3;
	v4 =	vand.u32 $0xFFFFFFE0, v58  }
0x3f: {  	v3 =	vor.u32 v3, v4  }
0x40: {  	v4 =	vperm.xlane v3, v0;
	_ =	sdelay $0x1  }
0x41: {  	v4 =	vadd.s32 v1, v4;
	_ =	sdelay $0x1  }
0x42: {  	v3 =	vperm.xlane v3, v2;
	_ =	sdelay $0x1  }
0x43: {  	s0 =	rddreg [dreg:$0xe];
	v3 =	vadd.s32 v1, v3  }
0x44: {  	[tilespmem:s0], [sflag:$0x1] =	stream.indirect_vreg.gather [hbm4b:s1+s3], $0x80, v4, vm0, $0xb8;
	[tilespmem:$0x10080] =	vst v63  }
0x45: {  	s8 =	rddreg [dreg:$0xf]  }
0x46: {  	[tilespmem:s8], [sflag:$0x1] =	stream.indirect_vreg.gather [hbm4b:s4+s3], $0x80, v4, vm0, $0xb8;
	[tilespmem:$0x10080] =	vst v63  }
0x47: {  	s8 =	simm.s32 $0x5080  }
0x48: {  	[tilespmem:s8], [sflag:$0x1] =	stream.indirect_vreg.gather [hbm4b:s1+s3], $0x80, v3, vm0, $0xb8;
	[tilespmem:$0x10080] =	vst v63  }
0x49: {  	_ = 	snop  }
0x4a: {  	[tilespmem:s9], [sflag:$0x1] =	stream.indirect_vreg.gather [hbm4b:s4+s3], $0x80, v3, vm0, $0xb8;
	[tilespmem:$0x10080] =	vst v63  }
0x4b: {  	v3 =	vld [tilespmem:$0x30];
	_ =	sdelay $0x4  }
0x4c: {  	v59 =	vshll.u32 v3, $0x2  }
0x4d: {  	v3 =	vand.u32 $0x7, v3;
	v4 =	vand.u32 $0xFFFFFFE0, v59  }
0x4e: {  	v3 =	vor.u32 v3, v4  }
0x4f: {  	v4 =	vperm.xlane v3, v0;
	_ =	sdelay $0x1  }
0x50: {  	v4 =	vadd.s32 v1, v4;
	_ =	sdelay $0x1  }
0x51: {  	v3 =	vperm.xlane v3, v2;
	_ =	sdelay $0x1  }
0x52: {  	v3 =	vadd.s32 v1, v3  }
0x53: {  	[tilespmem:s10], [sflag:$0x1] =	stream.indirect_vreg.gather [hbm4b:s1+s3], $0x80, v4, vm0, $0xb8;
	[tilespmem:$0x10080] =	vst v63  }
0x54: {  	_ = 	snop  }
0x55: {  	[tilespmem:s11], [sflag:$0x1] =	stream.indirect_vreg.gather [hbm4b:s4+s3], $0x80, v4, vm0, $0xb8;
	[tilespmem:$0x10080] =	vst v63  }
0x56: {  	_ = 	snop  }
0x57: {  	[tilespmem:s12], [sflag:$0x1] =	stream.indirect_vreg.gather [hbm4b:s1+s3], $0x80, v3, vm0, $0xb8;
	[tilespmem:$0x10080] =	vst v63  }
0x58: {  	_ = 	snop  }
0x59: {  	[tilespmem:s13], [sflag:$0x1] =	stream.indirect_vreg.gather [hbm4b:s4+s3], $0x80, v3, vm0, $0xb8;
	[tilespmem:$0x10080] =	vst v63  }
0x5a: {  	_ =	swait.ge [sflag:s6], $0x8000  }
0x5b: {  	[sflag:s6] =	ssyncset.done $0x0  }
0x5c: {  	s8 =	rddreg [dreg:$0x5];
	[sflag:s6] =	ssyncadd.s32 $0xFFFF8000  }
0x5d: {  	[hbm4b:s8+s3] =	stream.linear.scatter [tilespmem:s7], [sflag:$0x2], $0x8000, $0x38;
	[tilespmem:$0x10080] =	vst v63  }
0x5e: {  	v3 =	vld [tilespmem:$0x40];
	_ =	sdelay $0x4  }
0x5f: {  	v60 =	vshll.u32 v3, $0x2  }
0x60: {  	v3 =	vand.u32 $0x7, v3;
	v4 =	vand.u32 $0xFFFFFFE0, v60  }
0x61: {  	v3 =	vor.u32 v3, v4  }
0x62: {  	v4 =	vperm.xlane v3, v0;
	_ =	sdelay $0x1  }
0x63: {  	v4 =	vadd.s32 v1, v4;
	_ =	sdelay $0x1  }
0x64: {  	v3 =	vperm.xlane v3, v2;
	_ =	sdelay $0x1  }
0x65: {  	v3 =	vadd.s32 v1, v3  }
0x66: {  	[tilespmem:s14], [sflag:$0x1] =	stream.indirect_vreg.gather [hbm4b:s1+s3], $0x80, v4, vm0, $0xb8;
	[tilespmem:$0x10080] =	vst v63  }
0x67: {  	_ = 	snop  }
0x68: {  	[tilespmem:s15], [sflag:$0x1] =	stream.indirect_vreg.gather [hbm4b:s4+s3], $0x80, v4, vm0, $0xb8;
	[tilespmem:$0x10080] =	vst v63  }
0x69: {  	_ = 	snop  }
0x6a: {  	[tilespmem:s16], [sflag:$0x1] =	stream.indirect_vreg.gather [hbm4b:s1+s3], $0x80, v3, vm0, $0xb8;
	[tilespmem:$0x10080] =	vst v63  }
0x6b: {  	_ = 	snop  }
0x6c: {  	[tilespmem:s17], [sflag:$0x1] =	stream.indirect_vreg.gather [hbm4b:s4+s3], $0x80, v3, vm0, $0xb8;
	[tilespmem:$0x10080] =	vst v63  }
0x6d: {  	v3 =	vld [tilespmem:$0x50];
	_ =	sdelay $0x4  }
0x6e: {  	v61 =	vshll.u32 v3, $0x2  }
0x6f: {  	v3 =	vand.u32 $0x7, v3;
	v4 =	vand.u32 $0xFFFFFFE0, v61  }
0x70: {  	v3 =	vor.u32 v3, v4  }
0x71: {  	v4 =	vperm.xlane v3, v0;
	_ =	sdelay $0x1  }
0x72: {  	v4 =	vadd.s32 v1, v4;
	_ =	sdelay $0x1  }
0x73: {  	v3 =	vperm.xlane v3, v2;
	_ =	sdelay $0x1  }
0x74: {  	v3 =	vadd.s32 v1, v3  }
0x75: {  	[tilespmem:s18], [sflag:$0x1] =	stream.indirect_vreg.gather [hbm4b:s1+s3], $0x80, v4, vm0, $0xb8;
	[tilespmem:$0x10080] =	vst v63  }
0x76: {  	_ = 	snop  }
0x77: {  	[tilespmem:s19], [sflag:$0x1] =	stream.indirect_vreg.gather [hbm4b:s4+s3], $0x80, v4, vm0, $0xb8;
	[tilespmem:$0x10080] =	vst v63  }
0x78: {  	_ = 	snop  }
0x79: {  	[tilespmem:s20], [sflag:$0x1] =	stream.indirect_vreg.gather [hbm4b:s1+s3], $0x80, v3, vm0, $0xb8;
	[tilespmem:$0x10080] =	vst v63  }
0x7a: {  	_ = 	snop  }
0x7b: {  	[tilespmem:s21], [sflag:$0x1] =	stream.indirect_vreg.gather [hbm4b:s4+s3], $0x80, v3, vm0, $0xb8;
	[tilespmem:$0x10080] =	vst v63  }
0x7c: {  	v3 =	vld [tilespmem:$0x60];
	_ =	sdelay $0x4  }
0x7d: {  	v62 =	vshll.u32 v3, $0x2  }
0x7e: {  	v3 =	vand.u32 $0x7, v3;
	v4 =	vand.u32 $0xFFFFFFE0, v62  }
0x7f: {  	v3 =	vor.u32 v3, v4  }
0x80: {  	v4 =	vperm.xlane v3, v0;
	_ =	sdelay $0x1  }
0x81: {  	v4 =	vadd.s32 v1, v4;
	_ =	sdelay $0x1  }
0x82: {  	v3 =	vperm.xlane v3, v2;
	_ =	sdelay $0x1  }
0x83: {  	v3 =	vadd.s32 v1, v3  }
0x84: {  	[tilespmem:s22], [sflag:$0x1] =	stream.indirect_vreg.gather [hbm4b:s1+s3], $0x80, v4, vm0, $0xb8;
	[tilespmem:$0x10080] =	vst v63  }
0x85: {  	_ = 	snop  }
0x86: {  	[tilespmem:s23], [sflag:$0x1] =	stream.indirect_vreg.gather [hbm4b:s4+s3], $0x80, v4, vm0, $0xb8;
	[tilespmem:$0x10080] =	vst v63  }
0x87: {  	_ = 	snop  }
0x88: {  	[tilespmem:s24], [sflag:$0x1] =	stream.indirect_vreg.gather [hbm4b:s1+s3], $0x80, v3, vm0, $0xb8;
	[tilespmem:$0x10080] =	vst v63  }
0x89: {  	_ = 	snop  }
0x8a: {  	[tilespmem:s25], [sflag:$0x1] =	stream.indirect_vreg.gather [hbm4b:s4+s3], $0x80, v3, vm0, $0xb8;
	[tilespmem:$0x10080] =	vst v63  }
0x8b: {  	v3 =	vld [tilespmem:$0x70];
	_ =	sdelay $0x4  }
0x8c: {  	v63 =	vshll.u32 v3, $0x2  }
0x8d: {  	v3 =	vand.u32 $0x7, v3;
	v4 =	vand.u32 $0xFFFFFFE0, v63  }
0x8e: {  	v3 =	vor.u32 v3, v4  }
0x8f: {  	v4 =	vperm.xlane v3, v0;
	_ =	sdelay $0x1  }
0x90: {  	v4 =	vadd.s32 v1, v4;
	_ =	sdelay $0x1  }
0x91: {  	v3 =	vperm.xlane v3, v2;
	_ =	sdelay $0x1  }
0x92: {  	v3 =	vadd.s32 v1, v3  }
0x93: {  	[tilespmem:s26], [sflag:$0x1] =	stream.indirect_vreg.gather [hbm4b:s1+s3], $0x80, v4, vm0, $0xb8;
	[tilespmem:$0x10080] =	vst v63  }
0x94: {  	_ = 	snop  }
0x95: {  	[tilespmem:s28], [sflag:$0x1] =	stream.indirect_vreg.gather [hbm4b:s4+s3], $0x80, v4, vm0, $0xb8;
	[tilespmem:$0x10080] =	vst v63  }
0x96: {  	_ = 	snop  }
0x97: {  	[tilespmem:s29], [sflag:$0x1] =	stream.indirect_vreg.gather [hbm4b:s1+s3], $0x80, v3, vm0, $0xb8;
	[tilespmem:$0x10080] =	vst v63  }
0x98: {  	_ = 	snop  }
0x99: {  	[tilespmem:s30], [sflag:$0x1] =	stream.indirect_vreg.gather [hbm4b:s4+s3], $0x80, v3, vm0, $0xb8;
	[tilespmem:$0x10080] =	vst v63  }
0x9a: {  	_ =	swait.ge [sflag:s6], $0x8000  }
0x9b: {  	[sflag:s6] =	ssyncset.done $0x0  }
0x9c: {  	s8 =	rddreg [dreg:$0x6];
	[sflag:s6] =	ssyncadd.s32 $0xFFFF8000  }
0x9d: {  	[hbm4b:s8+s3] =	stream.linear.scatter [tilespmem:s14], [sflag:$0x3], $0x8000, $0x38;
	[tilespmem:$0x10080] =	vst v63  }
0x9e: {  	p0 =	sne.s32 s5, $0x1;
	_ =	swait.ge [sflag:s31], $0x8000  }
.Ltmp0:
0x9f: {  	[sflag:s31] =	ssyncset.done $0x0;
	(pc) =	sbr.rel @p0 .LBB2_1-.Ltmp0, $4  }
0xa0: {  	[sflag:s31] =	ssyncadd.s32 $0xFFFF8000  }
0xa1: {  	_ =	swait.ge [sflag:s2], $0x8000  }
0xa2: {  	[sflag:s2] =	ssyncset.done $0x0  }
0xa3: {  	s5 =	sadd.s32 $0xFFFFFFFF, s5;
	[sflag:s2] =	ssyncadd.s32 $0xFFFF8000  }
0xa4: {  	_ =	sfence.sel $0x180000  }
0xa5: {  	[bflag:$0x0] =	sbarrier.arrive $0xFFFF  }
0xa6: {  	_ =	strace $0x9000004D  }
0xa7: {  	s0 =	stileid.u32;
	[bflag:$0x2] =	sbarrier.arrive $0xFFFF  }
0xa8: {  	p0 =	sne.s32 s0, $0x0;
	s0 =	rddreg [dreg:$0x3]  }
0xa9: {  	s0 =	sadd.s32 @!p0 $0x100000, s0  }
0xaa: {  	[sflag:s0] =	ssyncadd.tile.s32 @!p0 $0x1;
	_ =	shalt  }
.Lfunc_end2:
_tile_overlayer_lowered:
.L_overlay_start_2:
0xab: {  	(tag) =	ssettag $0x2  }
0xac: {  	s0 =	rddreg [dreg:$0x0];
	s2 =	stileid.u32  }
0xad: {  	s1 =	rddreg [dreg:$0x1];
	p0 =	sne.s32 s2, $0x0  }
0xae: {  	s3 =	rddreg [dreg:$0x2];
	[bflag:$0x3] =	sbarrier.arrive $0xFFFF;
	s2 =	simm.s32 @!p0 $0x1C04  }
0xaf: {  	[timem:s3], [sflag:s2] =	dma.local @!p0 [hbm:s0], s1  }
0xb0: {  	s0 =	simm.s32 @!p0 $0x4  }
0xb1: {  	_ =	swait.ge @!p0 [sflag:s0], s1  }
0xb2: {  	s1 =	ssub.s32 @!p0 $0x0, s1;
	[sflag:s0] =	ssyncset.done @!p0 $0x0  }
0xb3: {  	[sflag:s0] =	ssyncadd.s32 @!p0 s1  }
0xb4: {  	[bflag:$0x3] =	sbarrier.arrive $0xFFFF  }
0xb5: {  	_ =	shalt  }

// kernel: kernel.19.cloned.1.call-start
scs
__scs_entry_jumppad:
0x0: {  	(pc) =	sbr.rel $0x88, $3  }
0x1: {  	(tag) =	ssettag $0x0;
	lr =	simm.s32 $0x1  }
0x2: {  	[smem:$0x3F9E] =	sst lr;
	_ =	strace $0xD0000000  }
0x3: {  	_ = 	snop  }
0x4: {  	_ = 	snop  }
0x5: {  	_ = 	snop  }
0x6: {  	_ = 	snop  }
0x7: {  	_ = 	snop  }
__scs_overlays_trampoline_lowered:
0x8: {  	[smem:$0x3FAD] =	sst s0  }
0x9: {  	[smem:$0x3FAE] =	sst s1  }
0xa: {  	[smem:$0x3FAF] =	sst s2  }
0xb: {  	[smem:$0x3FB0] =	sst s3  }
0xc: {  	[smem:$0x3FB1] =	sst s4  }
0xd: {  	[smem:$0x3FB2] =	sst s5  }
0xe: {  	[smem:$0x3FB3] =	sst s6  }
0xf: {  	[smem:$0x3FB4] =	sst s7  }
0x10: {  	[smem:$0x3FB5] =	sst s8  }
0x11: {  	[smem:$0x3FB6] =	sst s9;
	s0 =	simm.s32 @!p0 $0x0  }
0x12: {  	s1 =	sld [smem:$0x3F9C];
	s0 =	simm.s32 @p0 $0x1  }
0x13: {  	[smem:$0x3FB7] =	sst s0;
	s0 =	simm.s32 @!p1 $0x0  }
0x14: {  	s2 =	sld [smem:$0x3F9B];
	s0 =	simm.s32 @p1 $0x1  }
0x15: {  	[smem:$0x3FB8] =	sst s0;
	s0 =	simm.s32 @!p2 $0x0  }
0x16: {  	s3 =	sld [smem:$0x3FDB];
	s0 =	simm.s32 @p2 $0x1  }
0x17: {  	s4 =	simm.s32 $0x1BF5;
	[smem:$0x3FBA] =	sst s0  }
0x18: {  	s0 =	sld [smem:$0x3F9D];
	_ =	swait.ge [sflag:s4], $0x0  }
0x19: {  	s7 =	sld [smem:$0x3F9E]  }
0x1a: {  	s8 =	sadd.s32 $0xFFFFE003, lr  }
0x1b: {  	s9 =	sadd.s32 $0xFFFFFEF7, lr;
	s5 =	simm.s32 $0xFFFFFFFF;
	p2 =	slt.u32 s8, $0xFFFFF086  }
0x1c: {  	p1 =	slt.u32 s9, $0xF7A;
	s5 =	simm.s32 @!p2 $0x0  }
0x1d: {  	s5 =	simm.s32 @p1 $0x1;
	p0 =	seq.s32 s7, s2  }
0x1e: {  	s7 =	smul.u32 @!p0 $0xF7A, s2;
	p2 =	seq.s32 @!p0 s5, $0x0  }
0x1f: {  	s9 =	smul.u32 $0xF7A, s1;
	s8 =	simm.s32 @!p0 $0x1BF5;
	p2 =	por !p2, p0  }
0x20: {  	[sflag:s8] =	ssyncset.s32 @!p0 $0xFFFFF086;
	s6 =	sadd.s32 @!p0 s3, s7;
	s7 =	simm.s32 @!p0 $0x108  }
0x21: {  	s3 =	sadd.s32 s3, s9;
	s6 =	sadd.s32 @!p0 $0x88, s6;
	s7 =	simm.s32 @p2 $0x1082  }
0x22: {  	[simem:s7], [sflag:s8] =	dma.local @!p0 [hbm:s6], $0xF7A  }
0x23: {  	s9 =	sor.u32 $0xD0000000, s2;
	s6 =	simm.s32 $0x108;
	_ =	swait.ge @!p0 [sflag:s8], $0x0  }
0x24: {  	s3 =	sadd.s32 $0x88, s3;
	s6 =	simm.s32 @!p1 $0x1082;
	[sflag:s4] =	ssyncset.s32 $0xFFFFF086  }
0x25: {  	[simem:s6], [sflag:s4] =	dma.local [hbm:s3], $0xF7A  }
0x26: {  	[smem:$0x3F9E] =	sst s1;
	(tag) =	ssettag s2;
	_ =	strace s9  }
0x27: {  	s1 =	sld [smem:$0x3FAE]  }
0x28: {  	s2 =	sld [smem:$0x3FAF]  }
0x29: {  	s4 =	sld [smem:$0x3FB1]  }
0x2a: {  	p0 =	seq.s32 s5, $0x0;
	s5 =	sld [smem:$0x3FB2]  }
0x2b: {  	s6 =	sld [smem:$0x3FB3]  }
0x2c: {  	s7 =	sld [smem:$0x3FB4]  }
0x2d: {  	s3 =	simm.s32 $0x108;
	s8 =	sld [smem:$0x3FB5]  }
0x2e: {  	s3 =	simm.s32 @!p0 $0x1082;
	s9 =	sld [smem:$0x3FB6]  }
0x2f: {  	lr =	sadd.s32 s0, s3;
	s0 =	sld [smem:$0x3FAD]  }
0x30: {  	s3 =	sld [smem:$0x3FB0]  }
0x31: {  	[smem:$0x3FB9] =	sst s10  }
0x32: {  	s10 =	sld [smem:$0x3FB7];
	_ =	sdelay $0x3  }
0x33: {  	p0 =	seq.s32 s10, $0x1;
	s10 =	sld [smem:$0x3FB9];
	_ =	sdelay $0x3  }
0x34: {  	[smem:$0x3FB9] =	sst s10  }
0x35: {  	s10 =	sld [smem:$0x3FB8];
	_ =	sdelay $0x3  }
0x36: {  	p1 =	seq.s32 s10, $0x1;
	s10 =	sld [smem:$0x3FB9];
	_ =	sdelay $0x3  }
0x37: {  	[smem:$0x3FB9] =	sst s10  }
0x38: {  	s10 =	sld [smem:$0x3FBA]  }
0x39: {  	_ = 	snop;
	(pc) =	sbr.ind lr, $3  }
0x3a: {  	_ = 	snop  }
0x3b: {  	_ = 	snop  }
0x3c: {  	p2 =	seq.s32 s10, $0x1;
	s10 =	sld [smem:$0x3FB9]  }
0x3d: {  	_ =	shalt  }
0x3e: {  	_ =	shalt  }
0x3f: {  	_ =	shalt  }
0x40: {  	_ =	shalt  }
0x41: {  	_ =	shalt  }
0x42: {  	_ =	shalt  }
0x43: {  	_ =	shalt  }
0x44: {  	_ =	shalt  }
0x45: {  	_ =	shalt  }
0x46: {  	_ =	shalt  }
0x47: {  	_ =	shalt  }
0x48: {  	_ =	shalt  }
0x49: {  	_ =	shalt  }
0x4a: {  	_ =	shalt  }
0x4b: {  	_ =	shalt  }
0x4c: {  	_ =	shalt  }
0x4d: {  	_ =	shalt  }
0x4e: {  	_ =	shalt  }
0x4f: {  	_ =	shalt  }
0x50: {  	_ =	shalt  }
0x51: {  	_ =	shalt  }
0x52: {  	_ =	shalt  }
0x53: {  	_ =	shalt  }
0x54: {  	_ =	shalt  }
0x55: {  	_ =	shalt  }
0x56: {  	_ =	shalt  }
0x57: {  	_ =	shalt  }
0x58: {  	_ =	shalt  }
0x59: {  	_ =	shalt  }
0x5a: {  	_ =	shalt  }
0x5b: {  	_ =	shalt  }
0x5c: {  	_ =	shalt  }
0x5d: {  	_ =	shalt  }
0x5e: {  	_ =	shalt  }
0x5f: {  	_ =	shalt  }
0x60: {  	_ =	shalt  }
0x61: {  	_ =	shalt  }
0x62: {  	_ =	shalt  }
0x63: {  	_ =	shalt  }
0x64: {  	_ =	shalt  }
0x65: {  	_ =	shalt  }
0x66: {  	_ =	shalt  }
0x67: {  	_ =	shalt  }
0x68: {  	_ =	shalt  }
0x69: {  	_ =	shalt  }
0x6a: {  	_ =	shalt  }
0x6b: {  	_ =	shalt  }
0x6c: {  	_ =	shalt  }
0x6d: {  	_ =	shalt  }
0x6e: {  	_ =	shalt  }
0x6f: {  	_ =	shalt  }
0x70: {  	_ =	shalt  }
0x71: {  	_ =	shalt  }
0x72: {  	_ =	shalt  }
0x73: {  	_ =	shalt  }
0x74: {  	_ =	shalt  }
0x75: {  	_ =	shalt  }
0x76: {  	_ =	shalt  }
0x77: {  	_ =	shalt  }
0x78: {  	_ =	shalt  }
0x79: {  	_ =	shalt  }
0x7a: {  	_ =	shalt  }
0x7b: {  	_ =	shalt  }
0x7c: {  	_ =	shalt  }
0x7d: {  	_ =	shalt  }
0x7e: {  	_ =	shalt  }
0x7f: {  	_ =	shalt  }
0x80: {  	_ =	shalt  }
0x81: {  	_ =	shalt  }
0x82: {  	_ =	shalt  }
0x83: {  	_ =	shalt  }
0x84: {  	_ =	shalt  }
0x85: {  	_ =	shalt  }
0x86: {  	_ =	shalt  }
0x87: {  	_ =	shalt  }
.Lfunc_end0:
.L_simem_size_0:
called_computation.3_lowered:
.L_overlay_start_0:
0x88: {  	s2 =	sld [smem:$0x3FD9]  }
0x89: {  	s3 =	sld [smem:$0x3FFE];
	_ =	sdelay $0x1  }
0x8a: {  	s1 =	srdreg.scid  }
0x8b: {  	s0 =	sand.u32 $0x1, s1  }
0x8c: {  	s17 =	sshll.u32 s0, $0xA;
	s2 =	sadd.s32 s3, s2  }
0x8d: {  	s2 =	sadd.s32 s2, s17  }
0x8e: {  	[smem:$0x3FC5] =	sst s2  }
0x8f: {  	_ = 	snop  }
0x90: {  	s2 =	sld [smem:$0x3FC7]  }
0x91: {  	s18 =	sld [smem:$0x3FD0];
	(tm) =	ssettm $0x1  }
0x92: {  	s4 =	sld [smem:$0x3FFB];
	_ =	sdelay $0x3  }
0x93: {  	_ =	strace s4  }
0x94: {  	s4 =	sld [smem:$0x3FFC];
	_ =	sdelay $0x3  }
0x95: {  	_ =	strace s4  }
0x96: {  	s4 =	sld [smem:$0x3FFD];
	_ =	sdelay $0x3  }
0x97: {  	_ =	strace s4  }
0x98: {  	_ =	strace $0x8FFFFFFF  }
0x99: {  	s19 =	sld [smem:$0x3FDB];
	_ =	sdelay $0x1  }
0x9a: {  	s5 =	simm.s32 $_scs_section_size  }
0x9b: {  	s6 =	simm.s32 $_size__tile_overlayer_lowered;
	s7 =	simm.s32 $_tile_overlayer_lowered  }
0x9c: {  	s22 =	simm.s32 $0x1BFF;
	s21 =	sshll.u32 s7, $0x1;
	s4 =	sadd.s32 s5, s19  }
0x9d: {  	s8 =	simm.s32 $0x0;
	s20 =	sshll.u32 s6, $0x1;
	s6 =	sadd.s32 s21, s4  }
0x9e: {  	[timem:s8], [sflag:s22] =	dma.local [hbm:s6], s20  }
0x9f: {  	_ =	swait.ge [sflag:s22], s20  }
0xa0: {  	s5 =	ssub.s32 $0x0, s20;
	[sflag:s22] =	ssyncset.done $0x0  }
0xa1: {  	[sflag:s22] =	ssyncadd.s32 s5;
	_ =	sdelay $0x1  }
0xa2: {  	s23 =	simm.s32 $0x1B8B  }
0xa3: {  	_ =	swait.ge [sflag:s23], $0x1  }
0xa4: {  	[sflag:s23] =	ssyncset.done $0x0  }
0xa5: {  	s25 =	simm.s32 $0x1B8E;
	s24 =	sld [smem:$0x3FFE];
	[sflag:s23] =	ssyncadd.s32 $0xFFFFFFFF  }
0xa6: {  	s26 =	simm.s32 $execute0_lowered;
	[smem:$0x3FD2] =	sst s25  }
0xa7: {  	s6 =	sshll.u32 s26, $0x1;
	_ =	strace $0x8000004F;
	[dreg:$0x1] =	wrdreg $0xFFFFFFFF  }
0xa8: {  	s28 =	simm.s32 $_size_execute0_lowered;
	s4 =	sadd.s32 s4, s6;
	[dreg:$0x0] =	wrdreg $0x0  }
0xa9: {  	s6 =	sshll.u32 s28, $0x1;
	[dreg:$0x2] =	wrdreg s4  }
0xaa: {  	[dreg:$0x3] =	wrdreg s6  }
0xab: {  	[dreg:$0x4] =	wrdreg $0xC0  }
0xac: {  	_ =	task [dreg:s8], $0x5FFFF  }
0xad: {  	[dreg:$0x1] =	wrdreg $0xFFFFFFFF  }
0xae: {  	[dreg:$0x0] =	wrdreg $0x60  }
0xaf: {  	[dreg:$0x2] =	wrdreg s2  }
0xb0: {  	[dreg:$0x3] =	wrdreg s24  }
0xb1: {  	[dreg:$0x4] =	wrdreg s18  }
0xb2: {  	[dreg:$0x5] =	wrdreg $0x9  }
0xb3: {  	_ =	task.clear_ibuf [dreg:s8], $0x6FFFF;
	_ =	strace $0x9000004F  }
0xb4: {  	s29 =	simm.s32 $0x9;
	_ =	strace $0x80000051  }
0xb5: {  	_ =	swait.ge [sflag:s29], $0x1  }
0xb6: {  	[sflag:s29] =	ssyncadd.s32 $0xFFFFFFFF  }
0xb7: {  	_ =	strace $0x90000051  }
0xb8: {  	_ =	sfence  }
0xb9: {  	s30 =	sld [smem:$0x0];
	_ =	sdelay $0x2  }
0xba: {  	s31 =	sshll.u32 s1, $0xD;
	s1 =	sshrl.u32 s1, $0x2  }
0xbb: {  	s3 =	sand.u32 $0x4000, s31;
	s1 =	sadd.s32 s1, s30  }
0xbc: {  	s0 =	sor.u32 s3, s0;
	s1 =	sshll.u32 s1, $0x11  }
0xbd: {  	s0 =	sor.u32 s1, s0  }
0xbe: {  	s0 =	sadd.s32 $0x8F2B, s0  }
0xbf: {  	[sflag:s0] =	ssyncadd.remote.s32 $0x1  }
0xc0: {  	_ =	sfence.sel $0xFFFF  }
0xc1: {  	[dreg:$0x0] =	wrdreg $0xFFFFFFFF;
	(pc) =	sbr.abs _section_cstart, $3  }
0xc2: {  	[dreg:$0x1] =	wrdreg $0xFFFFFFFF  }
0xc3: {  	_ =	task.clear_ibuf [dreg:s8], $0x2FFFF;
	_ =	strace $0x9FFFFFFF  }
0xc4: {  	(tm) =	ssettm $0x7FFFFFFF  }
0xc5: {  	_ =	shalt  }
tec
execute0_lowered:
.L_overlay_start_1:
0x0: {  	(tag) =	ssettag $0x1  }
0x1: {  	s2 =	srdreg.scid;
	s1 =	rddreg [dreg:$0x0]  }
0x2: {  	s0 =	stileid.u32;
	s4 =	rddreg [dreg:$0x1]  }
0x3: {  	s6 =	rddreg [dreg:$0x2];
	s17 =	simm.s32 $0x880;
	s18 =	simm.s32 $0x1080  }
0x4: {  	s19 =	simm.s32 $0x1880;
	s20 =	simm.s32 $0x2080;
	s21 =	simm.s32 $0x2880  }
0x5: {  	s23 =	simm.s32 $0x3080;
	s24 =	simm.s32 $0x3880;
	s25 =	simm.s32 $0x4080  }
0x6: {  	s26 =	simm.s32 $0x4880;
	s9 =	simm.s32 $0x5880;
	s2 =	sand.u32 $0x1, s2  }
0x7: {  	s10 =	simm.s32 $0x6080;
	s3 =	sshll.u32 s0, $0x8;
	s5 =	sshll.u32 s2, $0x7  }
0x8: {  	s11 =	simm.s32 $0x6880;
	s5 =	sor.u32 s5, s3;
	s3 =	simm.s32 $0x0  }
0x9: {  	s12 =	simm.s32 $0x7080;
	s13 =	simm.s32 $0x7880;
	[smem:$0x7FF] =	sst s3  }
0xa: {  	s14 =	simm.s32 $0x8080;
	_ =	strace $0x80000050;
	[dreg:$0x7] =	wrdreg s17  }
0xb: {  	s28 =	simm.s32 $0xE880;
	s29 =	simm.s32 $0xF080;
	[dreg:$0x8] =	wrdreg s18  }
0xc: {  	s30 =	simm.s32 $0xF880;
	s2 =	ssub.s32 $0x2, s2;
	[dreg:$0x9] =	wrdreg s19  }
0xd: {  	s31 =	simm.s32 $0x2;
	s22 =	sshrl.u32 s2, $0x1;
	[dreg:$0xa] =	wrdreg s20  }
0xe: {  	s7 =	sshrl.u32 s5, $0x3;
	s5 =	sshll.u32 s5, $0x6;
	[dreg:$0xb] =	wrdreg s21  }
0xf: {  	s2 =	ssub.s32 s2, s22;
	s22 =	simm.s32 $0xC080;
	[dreg:$0xc] =	wrdreg s23  }
0x10: {  	s4 =	sadd.s32 s7, s4;
	s5 =	sadd.s32 s5, s6;
	[dreg:$0xd] =	wrdreg s24  }
0x11: {  	[dreg:$0xe] =	wrdreg s25;
	s6 =	simm.s32 $0x1;
	s7 =	simm.s32 $0x80  }
0x12: {  	[dreg:$0xf] =	wrdreg s26;
	s17 =	simm.s32 $0x9880;
	s18 =	simm.s32 $0xA080  }
0x13: {  	s19 =	simm.s32 $0xA880;
	s20 =	simm.s32 $0xB080;
	s21 =	simm.s32 $0xB880  }
0x14: {  	s23 =	simm.s32 $0xC880;
	s24 =	simm.s32 $0xD080;
	s4 =	sadd.s32 $0x1C00, s4  }
0x15: {  	s25 =	simm.s32 $0xD880;
	s15 =	sadd.s32 $0xC0000, s5;
	[dreg:$0x4] =	wrdreg s4  }
0x16: {  	v2 =	vlaneseq.u32;
	s26 =	simm.s32 $0xE080;
	s16 =	sadd.s32 $0xC1000, s5;
	[dreg:$0x5] =	wrdreg s15  }
0x17: {  	vm0 =	vmmov $0xffff;
	v1 =	vshrl.u32 v2, $0x3;
	s5 =	smax.u32 s2, $0x1;
	s2 =	simm.s32 $0x3;
	[dreg:$0x6] =	wrdreg s16  }
0x18: {  	v0 =	vand.u32 $0x7, v2;
	v2 =	vor.u32 $0x8, v2;
	v1 =	vmul.u32 $0x8, v1;
	s4 =	sadd.s32 $0x100, s1;
	s15 =	simm.s32 $0x8880;
	s16 =	simm.s32 $0x9080  }
.LBB2_1:
0x19: {  	s0 =	rddreg [dreg:$0x4]  }
0x1a: {  	[tilespmem:s3], [sflag:$0x1] =	stream.linear.gather [hbm4b:s0+s3], $0x80, $0x38;
	[tilespmem:$0x10080] =	vst v63  }
0x1b: {  	_ =	swait.ge [sflag:s6], $0x80  }
0x1c: {  	[sflag:s6] =	ssyncset.done $0x0  }
0x1d: {  	[sflag:s6] =	ssyncadd.s32 $0xFFFFFF80  }
0x1e: {  	v3 =	vld [tilespmem:$0x0];
	_ =	sdelay $0x4  }
0x1f: {  	v4 =	vshll.u32 v3, $0x2  }
0x20: {  	v3 =	vand.u32 $0x7, v3;
	v4 =	vand.u32 $0xFFFFFFE0, v4  }
0x21: {  	v3 =	vor.u32 v3, v4  }
0x22: {  	v4 =	vperm.xlane v3, v0;
	_ =	sdelay $0x1  }
0x23: {  	v4 =	vadd.s32 v1, v4;
	_ =	sdelay $0x1  }
0x24: {  	v3 =	vperm.xlane v3, v2;
	_ =	sdelay $0x1  }
0x25: {  	v3 =	vadd.s32 v1, v3  }
0x26: {  	[tilespmem:s7], [sflag:$0x1] =	stream.indirect_vreg.gather [hbm4b:s1+s3], $0x80, v4, vm0, $0xb8;
	[tilespmem:$0x10080] =	vst v63  }
0x27: {  	s0 =	rddreg [dreg:$0x7]  }
0x28: {  	[tilespmem:s0], [sflag:$0x1] =	stream.indirect_vreg.gather [hbm4b:s4+s3], $0x80, v4, vm0, $0xb8;
	[tilespmem:$0x10080] =	vst v63  }
0x29: {  	s8 =	rddreg [dreg:$0x8]  }
0x2a: {  	[tilespmem:s8], [sflag:$0x1] =	stream.indirect_vreg.gather [hbm4b:s1+s3], $0x80, v3, vm0, $0xb8;
	[tilespmem:$0x10080] =	vst v63  }
0x2b: {  	s0 =	rddreg [dreg:$0x9]  }
0x2c: {  	[tilespmem:s0], [sflag:$0x1] =	stream.indirect_vreg.gather [hbm4b:s4+s3], $0x80, v3, vm0, $0xb8;
	[tilespmem:$0x10080] =	vst v63  }
0x2d: {  	v3 =	vld [tilespmem:$0x10];
	_ =	sdelay $0x4  }
0x2e: {  	v57 =	vshll.u32 v3, $0x2  }
0x2f: {  	v3 =	vand.u32 $0x7, v3;
	v4 =	vand.u32 $0xFFFFFFE0, v57  }
0x30: {  	v3 =	vor.u32 v3, v4  }
0x31: {  	v4 =	vperm.xlane v3, v0;
	_ =	sdelay $0x1  }
0x32: {  	v4 =	vadd.s32 v1, v4;
	_ =	sdelay $0x1  }
0x33: {  	v3 =	vperm.xlane v3, v2;
	_ =	sdelay $0x1  }
0x34: {  	s0 =	rddreg [dreg:$0xa];
	v3 =	vadd.s32 v1, v3  }
0x35: {  	[tilespmem:s0], [sflag:$0x1] =	stream.indirect_vreg.gather [hbm4b:s1+s3], $0x80, v4, vm0, $0xb8;
	[tilespmem:$0x10080] =	vst v63  }
0x36: {  	s8 =	rddreg [dreg:$0xb]  }
0x37: {  	[tilespmem:s8], [sflag:$0x1] =	stream.indirect_vreg.gather [hbm4b:s4+s3], $0x80, v4, vm0, $0xb8;
	[tilespmem:$0x10080] =	vst v63  }
0x38: {  	s0 =	rddreg [dreg:$0xc]  }
0x39: {  	[tilespmem:s0], [sflag:$0x1] =	stream.indirect_vreg.gather [hbm4b:s1+s3], $0x80, v3, vm0, $0xb8;
	[tilespmem:$0x10080] =	vst v63  }
0x3a: {  	s8 =	rddreg [dreg:$0xd]  }
0x3b: {  	[tilespmem:s8], [sflag:$0x1] =	stream.indirect_vreg.gather [hbm4b:s4+s3], $0x80, v3, vm0, $0xb8;
	[tilespmem:$0x10080] =	vst v63  }
0x3c: {  	v3 =	vld [tilespmem:$0x20];
	_ =	sdelay $0x4  }
0x3d: {  	v58 =	vshll.u32 v3, $0x2  }
0x3e: {  	v3 =	vand.u32 $0x7, v3;
	v4 =	vand.u32 $0xFFFFFFE0, v58  }
0x3f: {  	v3 =	vor.u32 v3, v4  }
0x40: {  	v4 =	vperm.xlane v3, v0;
	_ =	sdelay $0x1  }
0x41: {  	v4 =	vadd.s32 v1, v4;
	_ =	sdelay $0x1  }
0x42: {  	v3 =	vperm.xlane v3, v2;
	_ =	sdelay $0x1  }
0x43: {  	s0 =	rddreg [dreg:$0xe];
	v3 =	vadd.s32 v1, v3  }
0x44: {  	[tilespmem:s0], [sflag:$0x1] =	stream.indirect_vreg.gather [hbm4b:s1+s3], $0x80, v4, vm0, $0xb8;
	[tilespmem:$0x10080] =	vst v63  }
0x45: {  	s8 =	rddreg [dreg:$0xf]  }
0x46: {  	[tilespmem:s8], [sflag:$0x1] =	stream.indirect_vreg.gather [hbm4b:s4+s3], $0x80, v4, vm0, $0xb8;
	[tilespmem:$0x10080] =	vst v63  }
0x47: {  	s8 =	simm.s32 $0x5080  }
0x48: {  	[tilespmem:s8], [sflag:$0x1] =	stream.indirect_vreg.gather [hbm4b:s1+s3], $0x80, v3, vm0, $0xb8;
	[tilespmem:$0x10080] =	vst v63  }
0x49: {  	_ = 	snop  }
0x4a: {  	[tilespmem:s9], [sflag:$0x1] =	stream.indirect_vreg.gather [hbm4b:s4+s3], $0x80, v3, vm0, $0xb8;
	[tilespmem:$0x10080] =	vst v63  }
0x4b: {  	v3 =	vld [tilespmem:$0x30];
	_ =	sdelay $0x4  }
0x4c: {  	v59 =	vshll.u32 v3, $0x2  }
0x4d: {  	v3 =	vand.u32 $0x7, v3;
	v4 =	vand.u32 $0xFFFFFFE0, v59  }
0x4e: {  	v3 =	vor.u32 v3, v4  }
0x4f: {  	v4 =	vperm.xlane v3, v0;
	_ =	sdelay $0x1  }
0x50: {  	v4 =	vadd.s32 v1, v4;
	_ =	sdelay $0x1  }
0x51: {  	v3 =	vperm.xlane v3, v2;
	_ =	sdelay $0x1  }
0x52: {  	v3 =	vadd.s32 v1, v3  }
0x53: {  	[tilespmem:s10], [sflag:$0x1] =	stream.indirect_vreg.gather [hbm4b:s1+s3], $0x80, v4, vm0, $0xb8;
	[tilespmem:$0x10080] =	vst v63  }
0x54: {  	_ = 	snop  }
0x55: {  	[tilespmem:s11], [sflag:$0x1] =	stream.indirect_vreg.gather [hbm4b:s4+s3], $0x80, v4, vm0, $0xb8;
	[tilespmem:$0x10080] =	vst v63  }
0x56: {  	_ = 	snop  }
0x57: {  	[tilespmem:s12], [sflag:$0x1] =	stream.indirect_vreg.gather [hbm4b:s1+s3], $0x80, v3, vm0, $0xb8;
	[tilespmem:$0x10080] =	vst v63  }
0x58: {  	_ = 	snop  }
0x59: {  	[tilespmem:s13], [sflag:$0x1] =	stream.indirect_vreg.gather [hbm4b:s4+s3], $0x80, v3, vm0, $0xb8;
	[tilespmem:$0x10080] =	vst v63  }
0x5a: {  	_ =	swait.ge [sflag:s6], $0x8000  }
0x5b: {  	[sflag:s6] =	ssyncset.done $0x0  }
0x5c: {  	s8 =	rddreg [dreg:$0x5];
	[sflag:s6] =	ssyncadd.s32 $0xFFFF8000  }
0x5d: {  	[hbm4b:s8+s3] =	stream.linear.scatter [tilespmem:s7], [sflag:$0x2], $0x8000, $0x38;
	[tilespmem:$0x10080] =	vst v63  }
0x5e: {  	v3 =	vld [tilespmem:$0x40];
	_ =	sdelay $0x4  }
0x5f: {  	v60 =	vshll.u32 v3, $0x2  }
0x60: {  	v3 =	vand.u32 $0x7, v3;
	v4 =	vand.u32 $0xFFFFFFE0, v60  }
0x61: {  	v3 =	vor.u32 v3, v4  }
0x62: {  	v4 =	vperm.xlane v3, v0;
	_ =	sdelay $0x1  }
0x63: {  	v4 =	vadd.s32 v1, v4;
	_ =	sdelay $0x1  }
0x64: {  	v3 =	vperm.xlane v3, v2;
	_ =	sdelay $0x1  }
0x65: {  	v3 =	vadd.s32 v1, v3  }
0x66: {  	[tilespmem:s14], [sflag:$0x1] =	stream.indirect_vreg.gather [hbm4b:s1+s3], $0x80, v4, vm0, $0xb8;
	[tilespmem:$0x10080] =	vst v63  }
0x67: {  	_ = 	snop  }
0x68: {  	[tilespmem:s15], [sflag:$0x1] =	stream.indirect_vreg.gather [hbm4b:s4+s3], $0x80, v4, vm0, $0xb8;
	[tilespmem:$0x10080] =	vst v63  }
0x69: {  	_ = 	snop  }
0x6a: {  	[tilespmem:s16], [sflag:$0x1] =	stream.indirect_vreg.gather [hbm4b:s1+s3], $0x80, v3, vm0, $0xb8;
	[tilespmem:$0x10080] =	vst v63  }
0x6b: {  	_ = 	snop  }
0x6c: {  	[tilespmem:s17], [sflag:$0x1] =	stream.indirect_vreg.gather [hbm4b:s4+s3], $0x80, v3, vm0, $0xb8;
	[tilespmem:$0x10080] =	vst v63  }
0x6d: {  	v3 =	vld [tilespmem:$0x50];
	_ =	sdelay $0x4  }
0x6e: {  	v61 =	vshll.u32 v3, $0x2  }
0x6f: {  	v3 =	vand.u32 $0x7, v3;
	v4 =	vand.u32 $0xFFFFFFE0, v61  }
0x70: {  	v3 =	vor.u32 v3, v4  }
0x71: {  	v4 =	vperm.xlane v3, v0;
	_ =	sdelay $0x1  }
0x72: {  	v4 =	vadd.s32 v1, v4;
	_ =	sdelay $0x1  }
0x73: {  	v3 =	vperm.xlane v3, v2;
	_ =	sdelay $0x1  }
0x74: {  	v3 =	vadd.s32 v1, v3  }
0x75: {  	[tilespmem:s18], [sflag:$0x1] =	stream.indirect_vreg.gather [hbm4b:s1+s3], $0x80, v4, vm0, $0xb8;
	[tilespmem:$0x10080] =	vst v63  }
0x76: {  	_ = 	snop  }
0x77: {  	[tilespmem:s19], [sflag:$0x1] =	stream.indirect_vreg.gather [hbm4b:s4+s3], $0x80, v4, vm0, $0xb8;
	[tilespmem:$0x10080] =	vst v63  }
0x78: {  	_ = 	snop  }
0x79: {  	[tilespmem:s20], [sflag:$0x1] =	stream.indirect_vreg.gather [hbm4b:s1+s3], $0x80, v3, vm0, $0xb8;
	[tilespmem:$0x10080] =	vst v63  }
0x7a: {  	_ = 	snop  }
0x7b: {  	[tilespmem:s21], [sflag:$0x1] =	stream.indirect_vreg.gather [hbm4b:s4+s3], $0x80, v3, vm0, $0xb8;
	[tilespmem:$0x10080] =	vst v63  }
0x7c: {  	v3 =	vld [tilespmem:$0x60];
	_ =	sdelay $0x4  }
0x7d: {  	v62 =	vshll.u32 v3, $0x2  }
0x7e: {  	v3 =	vand.u32 $0x7, v3;
	v4 =	vand.u32 $0xFFFFFFE0, v62  }
0x7f: {  	v3 =	vor.u32 v3, v4  }
0x80: {  	v4 =	vperm.xlane v3, v0;
	_ =	sdelay $0x1  }
0x81: {  	v4 =	vadd.s32 v1, v4;
	_ =	sdelay $0x1  }
0x82: {  	v3 =	vperm.xlane v3, v2;
	_ =	sdelay $0x1  }
0x83: {  	v3 =	vadd.s32 v1, v3  }
0x84: {  	[tilespmem:s22], [sflag:$0x1] =	stream.indirect_vreg.gather [hbm4b:s1+s3], $0x80, v4, vm0, $0xb8;
	[tilespmem:$0x10080] =	vst v63  }
0x85: {  	_ = 	snop  }
0x86: {  	[tilespmem:s23], [sflag:$0x1] =	stream.indirect_vreg.gather [hbm4b:s4+s3], $0x80, v4, vm0, $0xb8;
	[tilespmem:$0x10080] =	vst v63  }
0x87: {  	_ = 	snop  }
0x88: {  	[tilespmem:s24], [sflag:$0x1] =	stream.indirect_vreg.gather [hbm4b:s1+s3], $0x80, v3, vm0, $0xb8;
	[tilespmem:$0x10080] =	vst v63  }
0x89: {  	_ = 	snop  }
0x8a: {  	[tilespmem:s25], [sflag:$0x1] =	stream.indirect_vreg.gather [hbm4b:s4+s3], $0x80, v3, vm0, $0xb8;
	[tilespmem:$0x10080] =	vst v63  }
0x8b: {  	v3 =	vld [tilespmem:$0x70];
	_ =	sdelay $0x4  }
0x8c: {  	v63 =	vshll.u32 v3, $0x2  }
0x8d: {  	v3 =	vand.u32 $0x7, v3;
	v4 =	vand.u32 $0xFFFFFFE0, v63  }
0x8e: {  	v3 =	vor.u32 v3, v4  }
0x8f: {  	v4 =	vperm.xlane v3, v0;
	_ =	sdelay $0x1  }
0x90: {  	v4 =	vadd.s32 v1, v4;
	_ =	sdelay $0x1  }
0x91: {  	v3 =	vperm.xlane v3, v2;
	_ =	sdelay $0x1  }
0x92: {  	v3 =	vadd.s32 v1, v3  }
0x93: {  	[tilespmem:s26], [sflag:$0x1] =	stream.indirect_vreg.gather [hbm4b:s1+s3], $0x80, v4, vm0, $0xb8;
	[tilespmem:$0x10080] =	vst v63  }
0x94: {  	_ = 	snop  }
0x95: {  	[tilespmem:s28], [sflag:$0x1] =	stream.indirect_vreg.gather [hbm4b:s4+s3], $0x80, v4, vm0, $0xb8;
	[tilespmem:$0x10080] =	vst v63  }
0x96: {  	_ = 	snop  }
0x97: {  	[tilespmem:s29], [sflag:$0x1] =	stream.indirect_vreg.gather [hbm4b:s1+s3], $0x80, v3, vm0, $0xb8;
	[tilespmem:$0x10080] =	vst v63  }
0x98: {  	_ = 	snop  }
0x99: {  	[tilespmem:s30], [sflag:$0x1] =	stream.indirect_vreg.gather [hbm4b:s4+s3], $0x80, v3, vm0, $0xb8;
	[tilespmem:$0x10080] =	vst v63  }
0x9a: {  	_ =	swait.ge [sflag:s6], $0x8000  }
0x9b: {  	[sflag:s6] =	ssyncset.done $0x0  }
0x9c: {  	s8 =	rddreg [dreg:$0x6];
	[sflag:s6] =	ssyncadd.s32 $0xFFFF8000  }
0x9d: {  	[hbm4b:s8+s3] =	stream.linear.scatter [tilespmem:s14], [sflag:$0x3], $0x8000, $0x38;
	[tilespmem:$0x10080] =	vst v63  }
0x9e: {  	p0 =	sne.s32 s5, $0x1;
	_ =	swait.ge [sflag:s31], $0x8000  }
.Ltmp0:
0x9f: {  	[sflag:s31] =	ssyncset.done $0x0;
	(pc) =	sbr.rel @p0 .LBB2_1-.Ltmp0, $4  }
0xa0: {  	[sflag:s31] =	ssyncadd.s32 $0xFFFF8000  }
0xa1: {  	_ =	swait.ge [sflag:s2], $0x8000  }
0xa2: {  	[sflag:s2] =	ssyncset.done $0x0  }
0xa3: {  	s5 =	sadd.s32 $0xFFFFFFFF, s5;
	[sflag:s2] =	ssyncadd.s32 $0xFFFF8000  }
0xa4: {  	_ =	sfence.sel $0x180000  }
0xa5: {  	[bflag:$0x0] =	sbarrier.arrive $0xFFFF  }
0xa6: {  	_ =	strace $0x90000050  }
0xa7: {  	s0 =	stileid.u32;
	[bflag:$0x2] =	sbarrier.arrive $0xFFFF  }
0xa8: {  	p0 =	sne.s32 s0, $0x0;
	s0 =	rddreg [dreg:$0x3]  }
0xa9: {  	s0 =	sadd.s32 @!p0 $0x100000, s0  }
0xaa: {  	[sflag:s0] =	ssyncadd.tile.s32 @!p0 $0x1;
	_ =	shalt  }
.Lfunc_end2:
_tile_overlayer_lowered:
.L_overlay_start_2:
0xab: {  	(tag) =	ssettag $0x2  }
0xac: {  	s0 =	rddreg [dreg:$0x0];
	s2 =	stileid.u32  }
0xad: {  	s1 =	rddreg [dreg:$0x1];
	p0 =	sne.s32 s2, $0x0  }
0xae: {  	s3 =	rddreg [dreg:$0x2];
	[bflag:$0x3] =	sbarrier.arrive $0xFFFF;
	s2 =	simm.s32 @!p0 $0x1C04  }
0xaf: {  	[timem:s3], [sflag:s2] =	dma.local @!p0 [hbm:s0], s1  }
0xb0: {  	s0 =	simm.s32 @!p0 $0x4  }
0xb1: {  	_ =	swait.ge @!p0 [sflag:s0], s1  }
0xb2: {  	s1 =	ssub.s32 @!p0 $0x0, s1;
	[sflag:s0] =	ssyncset.done @!p0 $0x0  }
0xb3: {  	[sflag:s0] =	ssyncadd.s32 @!p0 s1  }
0xb4: {  	[bflag:$0x3] =	sbarrier.arrive $0xFFFF  }
0xb5: {  	_ =	shalt  }

</sc_bundles>
